<compile_context>
chip_gen: v7x
topology: tpu7x:2x2x1
jax: 0.10.2.dev20260603
libtpu: 0.0.44.dev20260713+nightly
codegen_flags: <defaults>
</compile_context>

<pallas_src>
import functools

import jax
import jax.numpy as jnp
from jax import lax
from jax.experimental import pallas as pl
from jax.experimental.pallas import tpu as pltpu
from jax.experimental.pallas import tpu_sc as plsc

VOCAB = 1000000
DIM = 64
B = 4096
L = 200

NC = 2
NS = 16
NW = NC * NS
IPW = B // NW
HALF = L // 2

_mesh = plsc.VectorSubcoreMesh(core_axis_name="c", subcore_axis_name="s")


@functools.partial(
    pl.kernel,
    out_type=jax.ShapeDtypeStruct((B,), jnp.float32),
    mesh=_mesh,
    scratch_types=[
        pltpu.VMEM((4 * IPW, HALF), jnp.int32),
        pltpu.VMEM((2 * L, DIM), jnp.float32),
        pltpu.VMEM((2 * L, DIM), jnp.float32),
        pltpu.VMEM((2 * DIM + 16,), jnp.float32),
        pltpu.VMEM((IPW,), jnp.float32),
        pltpu.SemaphoreType.DMA,
        pltpu.SemaphoreType.DMA,
    ],
    compiler_params=pltpu.CompilerParams(
        use_tc_tiling_on_sc=False, needs_layout_passes=False),
)
def _sc_kernel(idx_hbm, table_hbm, wb_hbm, out_hbm,
               idx_v, buf0, buf1, wb_v, out_v, sem0, sem1):
    wid = lax.axis_index("s") * NC + lax.axis_index("c")
    row0 = wid * (4 * IPW)

    pltpu.sync_copy(idx_hbm.at[pl.ds(row0, 4 * IPW)], idx_v)
    pltpu.sync_copy(wb_hbm, wb_v)

    lanes = lax.iota(jnp.int32, 16)

    def fire(item, buf, sem):
        for r in range(4):
            pltpu.async_copy(
                table_hbm.at[idx_v.at[4 * item + r]],
                buf.at[pl.ds(HALF * r, HALF)],
                sem,
            )

    def drain(buf, sem):
        pltpu.make_async_copy(table_hbm.at[pl.ds(0, 2 * L)], buf, sem).wait()

    def process(buf, item):
        neg = jnp.full((16,), -jnp.inf, jnp.float32)

        def jbody(j, carry):
            out = []
            for d in range(4):
                out.append(jnp.maximum(carry[d], buf[j, pl.ds(16 * d, 16)]))
            for d in range(4):
                out.append(jnp.maximum(carry[4 + d], buf[L + j, pl.ds(16 * d, 16)]))
            return tuple(out)

        acc = lax.fori_loop(0, L, jbody, (neg,) * 8, unroll=2)

        z = jnp.zeros((16,), jnp.float32)
        for d in range(4):
            z = z + acc[d] * wb_v[pl.ds(16 * d, 16)]
        for d in range(4):
            z = z + acc[4 + d] * wb_v[pl.ds(DIM + 16 * d, 16)]
        dnums = lax.GatherDimensionNumbers(
            offset_dims=(), collapsed_slice_dims=(0,), start_index_map=(0,))
        for k in (8, 4, 2, 1):
            shuf = lax.gather(
                z, (lanes ^ k).reshape(16, 1), dnums, (1,),
                mode=lax.GatherScatterMode.PROMISE_IN_BOUNDS)
            z = z + shuf
        logits = wb_v[pl.ds(2 * DIM, 16)] + z
        return 1.0 / (1.0 + jnp.exp(-logits))

    fire(0, buf0, sem0)

    def cbody(i, accv):
        c = 2 * i
        fire((c + 1) & (IPW - 1), buf1, sem1)
        drain(buf0, sem0)
        sig0 = process(buf0, c)
        accv = jnp.where(lanes == (c & 15), sig0, accv)
        fire((c + 2) & (IPW - 1), buf0, sem0)
        drain(buf1, sem1)
        sig1 = process(buf1, c + 1)
        accv = jnp.where(lanes == ((c + 1) & 15), sig1, accv)

        @pl.when(((c + 1) & 15) == 15)
        def _():
            out_v[pl.ds(c - 14, 16)] = accv

        return accv

    lax.fori_loop(0, IPW // 2, cbody, jnp.zeros((16,), jnp.float32))

    drain(buf0, sem0)

    pltpu.sync_copy(out_v, out_hbm.at[pl.ds(wid * IPW, IPW)])


def kernel(premise, hypothesis, table, W, b):
    idx = jnp.concatenate(
        [premise.reshape(B, 2, HALF), hypothesis.reshape(B, 2, HALF)], axis=1
    ).reshape(4 * B, HALF)
    wb = jnp.concatenate([W.reshape(2 * DIM), jnp.broadcast_to(b, (16,))])
    return _sc_kernel(idx, table, wb)

# --- scband reference (transcript-rebuilt; emitter-appended) ---
"""Pipeline reference for scband-pooled-logistic-regression-66511863546037 (READ-ONLY COPY).

The authoritative reference and input builder live on the scoring server;
editing this copy changes nothing except your own understanding.
"""

import jax, jax.numpy as jnp
import numpy as np

VOCAB = 1000000
DIM = 64
B = 4096
L = 200


def setup_inputs(seed: int = 0) -> dict:
    key = jax.random.key(seed)
    k1, k2, k3, k4, k5 = jax.random.split(key, 5)
    premise = jax.random.randint(k1, (B, L), 0, VOCAB, dtype=jnp.int32)
    hypothesis = jax.random.randint(k2, (B, L), 0, VOCAB, dtype=jnp.int32)
    table = jax.random.normal(k3, (VOCAB, DIM), dtype=jnp.float32)
    # nn.Linear(embedding_dim * 2, 1): weight [1, 2*DIM], bias [1]
    W = jax.random.normal(k4, (2 * DIM, 1), dtype=jnp.float32) * (1.0 / np.sqrt(2 * DIM))
    b = jax.random.normal(k5, (1,), dtype=jnp.float32) * 0.01
    return {"premise": premise, "hypothesis": hypothesis, "table": table, "W": W, "b": b}


def reference(premise, hypothesis, table, W, b):
    # embedding lookup (gather) -> SparseCore-friendly
    pre_emb = jnp.take(table, premise, axis=0)      # [B, L, DIM]
    hyp_emb = jnp.take(table, hypothesis, axis=0)   # [B, L, DIM]
    # max_pool over sequence dim (torch.max(x, 1).values)
    pre_pooled = jnp.max(pre_emb, axis=1)           # [B, DIM]
    hyp_pooled = jnp.max(hyp_emb, axis=1)           # [B, DIM]
    cat = jnp.concatenate([pre_pooled, hyp_pooled], axis=1)  # [B, 2*DIM]
    logits = cat @ W + b                            # [B, 1]
    out = jax.nn.sigmoid(logits)
    return out.squeeze(1)                           # [B]

if __name__ == "__main__":
    import jax
    _d = setup_inputs()
    print(jax.jit(kernel)(*tuple(_d.values())))

</pallas_src>

<mosaic_0001>
#map = affine_map<(d0, d1) -> (0, 0)>
#map1 = affine_map<(d0, d1) -> (0)>
module attributes {stable_mosaic.version = 14 : i64} {
  func.func @_sc_kernel(%arg0: i32, %arg1: i32, %arg2: memref<16384x100xi32, #tpu.memory_space<hbm>>, %arg3: memref<1000000x64xf32, #tpu.memory_space<hbm>>, %arg4: memref<144xf32, #tpu.memory_space<hbm>>, %arg5: memref<4096xf32, #tpu.memory_space<hbm>>, %arg6: memref<512x100xi32, #tpu.memory_space<vmem>>, %arg7: memref<400x64xf32, #tpu.memory_space<vmem>>, %arg8: memref<400x64xf32, #tpu.memory_space<vmem>>, %arg9: memref<144xf32, #tpu.memory_space<vmem>>, %arg10: memref<128xf32, #tpu.memory_space<vmem>>, %arg11: memref<!tpu.dma_semaphore, #tpu.memory_space<semaphore_mem>>, %arg12: memref<!tpu.dma_semaphore, #tpu.memory_space<semaphore_mem>>) attributes {dimension_semantics = [#tpu.dimension_semantics<core_parallel>, #tpu.dimension_semantics<subcore_parallel>], iteration_bounds = array<i64: 2, 16>, scalar_prefetch = 0 : i64, scratch_operands = 7 : i64, tpu.core_type = #tpu.core_type<sc_vector_subcore>, window_params = [{transform_indices = #map}, {transform_indices = #map}, {transform_indices = #map1}, {transform_indices = #map1}]} {
    %mul3A = arith.constant 2 : i32
    %mul3A_0 = arith.muli %arg1, %mul3A : i32
    %add3A = arith.addi %mul3A_0, %arg0 : i32
    %mul3A_1 = arith.constant 512 : i32
    %mul3A_2 = arith.muli %add3A, %mul3A_1 : i32
    "tpu.region"() ({
      %run_scoped3A = tpu.sem_alloc : memref<!tpu.dma_semaphore, #tpu.memory_space<semaphore_mem>>
      %dma_start3A_55 = arith.constant 0 : i32
      %dma_start3A_56 = tpu.memref_slice %arg2[%mul3A_2, %dma_start3A_55] : memref<16384x100xi32, #tpu.memory_space<hbm>> -> memref<512x100xi32, #tpu.memory_space<hbm>>
      %dma_start3A_57 = arith.constant 0 : i32
      %dma_start3A_58 = tpu.memref_slice %arg2[%mul3A_2, %dma_start3A_57] : memref<16384x100xi32, #tpu.memory_space<hbm>> -> memref<512x100xi32, #tpu.memory_space<hbm>>
      tpu.enqueue_dma source(%dma_start3A_58 : memref<512x100xi32, #tpu.memory_space<hbm>>) target(%arg6 : memref<512x100xi32, #tpu.memory_space<vmem>>) target_semaphore(%run_scoped3A : memref<!tpu.dma_semaphore, #tpu.memory_space<semaphore_mem>>)
      %dma_wait3A_59 = arith.constant 0 : i32
      %dma_wait3A_60 = tpu.memref_slice %arg2[%mul3A_2, %dma_wait3A_59] : memref<16384x100xi32, #tpu.memory_space<hbm>> -> memref<512x100xi32, #tpu.memory_space<hbm>>
      %dma_wait3A_61 = arith.constant 0 : i32
      %dma_wait3A_62 = tpu.memref_slice %arg2[%mul3A_2, %dma_wait3A_61] : memref<16384x100xi32, #tpu.memory_space<hbm>> -> memref<512x100xi32, #tpu.memory_space<hbm>>
      tpu.wait_dma2 semaphore(%run_scoped3A : memref<!tpu.dma_semaphore, #tpu.memory_space<semaphore_mem>>) src(%dma_wait3A_62 : memref<512x100xi32, #tpu.memory_space<hbm>>) dst(%arg6 : memref<512x100xi32, #tpu.memory_space<vmem>>)
      tpu.yield
    }) : () -> ()
    "tpu.region"() ({
      %run_scoped3A = tpu.sem_alloc : memref<!tpu.dma_semaphore, #tpu.memory_space<semaphore_mem>>
      tpu.enqueue_dma source(%arg4 : memref<144xf32, #tpu.memory_space<hbm>>) target(%arg9 : memref<144xf32, #tpu.memory_space<vmem>>) target_semaphore(%run_scoped3A : memref<!tpu.dma_semaphore, #tpu.memory_space<semaphore_mem>>)
      tpu.wait_dma2 semaphore(%run_scoped3A : memref<!tpu.dma_semaphore, #tpu.memory_space<semaphore_mem>>) src(%arg4 : memref<144xf32, #tpu.memory_space<hbm>>) dst(%arg9 : memref<144xf32, #tpu.memory_space<vmem>>)
      tpu.yield
    }) : () -> ()
    %iota3A = tpu.iota {dimensions = array<i32: 0>} : vector<16xi32>
    %dma_start3A = arith.constant 0 : i32
    %dma_start3A_3 = arith.constant 0 : i32
    %dma_start3A_4 = arith.constant 0 : i32
    %dma_start3A_5 = tpu.memref_slice %arg7[%dma_start3A_3, %dma_start3A_4] : memref<400x64xf32, #tpu.memory_space<vmem>> -> memref<100x64xf32, #tpu.memory_space<vmem>>
    %dma_start3A_6 = arith.constant 0 : i32
    %dma_start3A_7 = tpu.memref_slice %arg6[%dma_start3A, %dma_start3A_6] : memref<512x100xi32, #tpu.memory_space<vmem>> -> memref<1x100xi32, #tpu.memory_space<vmem>>
    %dma_start3A_8 = tpu.memref_squeeze %dma_start3A_7 : memref<1x100xi32, #tpu.memory_space<vmem>> -> memref<100xi32, #tpu.memory_space<vmem>>
    %dma_start3A_9 = arith.constant 0 : i32
    %dma_start3A_10 = arith.constant 0 : i32
    %dma_start3A_11 = tpu.memref_slice %arg3[%dma_start3A_9, %dma_start3A_10] : memref<1000000x64xf32, #tpu.memory_space<hbm>> -> memref<1000000x64xf32, #tpu.memory_space<hbm>>
    tpu.enqueue_indirect_dma source(%dma_start3A_11 : memref<1000000x64xf32, #tpu.memory_space<hbm>>) target(%dma_start3A_5 : memref<100x64xf32, #tpu.memory_space<vmem>>) offsets(%dma_start3A_8 : memref<100xi32, #tpu.memory_space<vmem>>) semaphore(%arg11 : memref<!tpu.dma_semaphore, #tpu.memory_space<semaphore_mem>>)
    %dma_start3A_12 = arith.constant 1 : i32
    %dma_start3A_13 = arith.constant 100 : i32
    %dma_start3A_14 = arith.constant 0 : i32
    %dma_start3A_15 = tpu.memref_slice %arg7[%dma_start3A_13, %dma_start3A_14] : memref<400x64xf32, #tpu.memory_space<vmem>> -> memref<100x64xf32, #tpu.memory_space<vmem>>
    %dma_start3A_16 = arith.constant 0 : i32
    %dma_start3A_17 = tpu.memref_slice %arg6[%dma_start3A_12, %dma_start3A_16] : memref<512x100xi32, #tpu.memory_space<vmem>> -> memref<1x100xi32, #tpu.memory_space<vmem>>
    %dma_start3A_18 = tpu.memref_squeeze %dma_start3A_17 : memref<1x100xi32, #tpu.memory_space<vmem>> -> memref<100xi32, #tpu.memory_space<vmem>>
    %dma_start3A_19 = arith.constant 0 : i32
    %dma_start3A_20 = arith.constant 0 : i32
    %dma_start3A_21 = tpu.memref_slice %arg3[%dma_start3A_19, %dma_start3A_20] : memref<1000000x64xf32, #tpu.memory_space<hbm>> -> memref<1000000x64xf32, #tpu.memory_space<hbm>>
    tpu.enqueue_indirect_dma source(%dma_start3A_21 : memref<1000000x64xf32, #tpu.memory_space<hbm>>) target(%dma_start3A_15 : memref<100x64xf32, #tpu.memory_space<vmem>>) offsets(%dma_start3A_18 : memref<100xi32, #tpu.memory_space<vmem>>) semaphore(%arg11 : memref<!tpu.dma_semaphore, #tpu.memory_space<semaphore_mem>>)
    %dma_start3A_22 = arith.constant 2 : i32
    %dma_start3A_23 = arith.constant 200 : i32
    %dma_start3A_24 = arith.constant 0 : i32
    %dma_start3A_25 = tpu.memref_slice %arg7[%dma_start3A_23, %dma_start3A_24] : memref<400x64xf32, #tpu.memory_space<vmem>> -> memref<100x64xf32, #tpu.memory_space<vmem>>
    %dma_start3A_26 = arith.constant 0 : i32
    %dma_start3A_27 = tpu.memref_slice %arg6[%dma_start3A_22, %dma_start3A_26] : memref<512x100xi32, #tpu.memory_space<vmem>> -> memref<1x100xi32, #tpu.memory_space<vmem>>
    %dma_start3A_28 = tpu.memref_squeeze %dma_start3A_27 : memref<1x100xi32, #tpu.memory_space<vmem>> -> memref<100xi32, #tpu.memory_space<vmem>>
    %dma_start3A_29 = arith.constant 0 : i32
    %dma_start3A_30 = arith.constant 0 : i32
    %dma_start3A_31 = tpu.memref_slice %arg3[%dma_start3A_29, %dma_start3A_30] : memref<1000000x64xf32, #tpu.memory_space<hbm>> -> memref<1000000x64xf32, #tpu.memory_space<hbm>>
    tpu.enqueue_indirect_dma source(%dma_start3A_31 : memref<1000000x64xf32, #tpu.memory_space<hbm>>) target(%dma_start3A_25 : memref<100x64xf32, #tpu.memory_space<vmem>>) offsets(%dma_start3A_28 : memref<100xi32, #tpu.memory_space<vmem>>) semaphore(%arg11 : memref<!tpu.dma_semaphore, #tpu.memory_space<semaphore_mem>>)
    %dma_start3A_32 = arith.constant 3 : i32
    %dma_start3A_33 = arith.constant 300 : i32
    %dma_start3A_34 = arith.constant 0 : i32
    %dma_start3A_35 = tpu.memref_slice %arg7[%dma_start3A_33, %dma_start3A_34] : memref<400x64xf32, #tpu.memory_space<vmem>> -> memref<100x64xf32, #tpu.memory_space<vmem>>
    %dma_start3A_36 = arith.constant 0 : i32
    %dma_start3A_37 = tpu.memref_slice %arg6[%dma_start3A_32, %dma_start3A_36] : memref<512x100xi32, #tpu.memory_space<vmem>> -> memref<1x100xi32, #tpu.memory_space<vmem>>
    %dma_start3A_38 = tpu.memref_squeeze %dma_start3A_37 : memref<1x100xi32, #tpu.memory_space<vmem>> -> memref<100xi32, #tpu.memory_space<vmem>>
    %dma_start3A_39 = arith.constant 0 : i32
    %dma_start3A_40 = arith.constant 0 : i32
    %dma_start3A_41 = tpu.memref_slice %arg3[%dma_start3A_39, %dma_start3A_40] : memref<1000000x64xf32, #tpu.memory_space<hbm>> -> memref<1000000x64xf32, #tpu.memory_space<hbm>>
    tpu.enqueue_indirect_dma source(%dma_start3A_41 : memref<1000000x64xf32, #tpu.memory_space<hbm>>) target(%dma_start3A_35 : memref<100x64xf32, #tpu.memory_space<vmem>>) offsets(%dma_start3A_38 : memref<100xi32, #tpu.memory_space<vmem>>) semaphore(%arg11 : memref<!tpu.dma_semaphore, #tpu.memory_space<semaphore_mem>>)
    %broadcast_in_dim3A = arith.constant 0.000000e+00 : f32
    %broadcast_in_dim3A_42 = vector.broadcast %broadcast_in_dim3A : f32 to vector<16xf32>
    %scan3A = arith.constant 0 : i32
    %scan3A_43 = arith.constant 64 : i32
    %scan3A_44 = arith.addi %scan3A, %scan3A_43 : i32
    %scan3A_45 = arith.constant 1 : i32
    %scan3A_46 = scf.for %scan3A_55 = %scan3A to %scan3A_44 step %scan3A_45 iter_args(%scan3A_56 = %broadcast_in_dim3A_42) -> (vector<16xf32>)  : i32 {
      %mul3A_57 = arith.constant 2 : i32
      %mul3A_58 = arith.muli %mul3A_57, %scan3A_55 : i32
      %add3A_59 = arith.constant 1 : i32
      %add3A_60 = arith.addi %mul3A_58, %add3A_59 : i32
      %and3A = arith.constant 127 : i32
      %and3A_61 = arith.andi %add3A_60, %and3A : i32
      %mul3A_62 = arith.constant 4 : i32
      %mul3A_63 = arith.muli %mul3A_62, %and3A_61 : i32
      %add3A_64 = arith.constant 0 : i32
      %add3A_65 = arith.addi %mul3A_63, %add3A_64 : i32
      %dma_start3A_66 = arith.constant 0 : i32
      %dma_start3A_67 = arith.constant 0 : i32
      %dma_start3A_68 = tpu.memref_slice %arg8[%dma_start3A_66, %dma_start3A_67] : memref<400x64xf32, #tpu.memory_space<vmem>> -> memref<100x64xf32, #tpu.memory_space<vmem>>
      %dma_start3A_69 = arith.constant 0 : i32
      %dma_start3A_70 = tpu.memref_slice %arg6[%add3A_65, %dma_start3A_69] : memref<512x100xi32, #tpu.memory_space<vmem>> -> memref<1x100xi32, #tpu.memory_space<vmem>>
      %dma_start3A_71 = tpu.memref_squeeze %dma_start3A_70 : memref<1x100xi32, #tpu.memory_space<vmem>> -> memref<100xi32, #tpu.memory_space<vmem>>
      %dma_start3A_72 = arith.constant 0 : i32
      %dma_start3A_73 = arith.constant 0 : i32
      %dma_start3A_74 = tpu.memref_slice %arg3[%dma_start3A_72, %dma_start3A_73] : memref<1000000x64xf32, #tpu.memory_space<hbm>> -> memref<1000000x64xf32, #tpu.memory_space<hbm>>
      tpu.enqueue_indirect_dma source(%dma_start3A_74 : memref<1000000x64xf32, #tpu.memory_space<hbm>>) target(%dma_start3A_68 : memref<100x64xf32, #tpu.memory_space<vmem>>) offsets(%dma_start3A_71 : memref<100xi32, #tpu.memory_space<vmem>>) semaphore(%arg12 : memref<!tpu.dma_semaphore, #tpu.memory_space<semaphore_mem>>)
      %mul3A_75 = arith.constant 4 : i32
      %mul3A_76 = arith.muli %mul3A_75, %and3A_61 : i32
      %add3A_77 = arith.constant 1 : i32
      %add3A_78 = arith.addi %mul3A_76, %add3A_77 : i32
      %dma_start3A_79 = arith.constant 100 : i32
      %dma_start3A_80 = arith.constant 0 : i32
      %dma_start3A_81 = tpu.memref_slice %arg8[%dma_start3A_79, %dma_start3A_80] : memref<400x64xf32, #tpu.memory_space<vmem>> -> memref<100x64xf32, #tpu.memory_space<vmem>>
      %dma_start3A_82 = arith.constant 0 : i32
      %dma_start3A_83 = tpu.memref_slice %arg6[%add3A_78, %dma_start3A_82] : memref<512x100xi32, #tpu.memory_space<vmem>> -> memref<1x100xi32, #tpu.memory_space<vmem>>
      %dma_start3A_84 = tpu.memref_squeeze %dma_start3A_83 : memref<1x100xi32, #tpu.memory_space<vmem>> -> memref<100xi32, #tpu.memory_space<vmem>>
      %dma_start3A_85 = arith.constant 0 : i32
      %dma_start3A_86 = arith.constant 0 : i32
      %dma_start3A_87 = tpu.memref_slice %arg3[%dma_start3A_85, %dma_start3A_86] : memref<1000000x64xf32, #tpu.memory_space<hbm>> -> memref<1000000x64xf32, #tpu.memory_space<hbm>>
      tpu.enqueue_indirect_dma source(%dma_start3A_87 : memref<1000000x64xf32, #tpu.memory_space<hbm>>) target(%dma_start3A_81 : memref<100x64xf32, #tpu.memory_space<vmem>>) offsets(%dma_start3A_84 : memref<100xi32, #tpu.memory_space<vmem>>) semaphore(%arg12 : memref<!tpu.dma_semaphore, #tpu.memory_space<semaphore_mem>>)
      %mul3A_88 = arith.constant 4 : i32
      %mul3A_89 = arith.muli %mul3A_88, %and3A_61 : i32
      %add3A_90 = arith.constant 2 : i32
      %add3A_91 = arith.addi %mul3A_89, %add3A_90 : i32
      %dma_start3A_92 = arith.constant 200 : i32
      %dma_start3A_93 = arith.constant 0 : i32
      %dma_start3A_94 = tpu.memref_slice %arg8[%dma_start3A_92, %dma_start3A_93] : memref<400x64xf32, #tpu.memory_space<vmem>> -> memref<100x64xf32, #tpu.memory_space<vmem>>
      %dma_start3A_95 = arith.constant 0 : i32
      %dma_start3A_96 = tpu.memref_slice %arg6[%add3A_91, %dma_start3A_95] : memref<512x100xi32, #tpu.memory_space<vmem>> -> memref<1x100xi32, #tpu.memory_space<vmem>>
      %dma_start3A_97 = tpu.memref_squeeze %dma_start3A_96 : memref<1x100xi32, #tpu.memory_space<vmem>> -> memref<100xi32, #tpu.memory_space<vmem>>
      %dma_start3A_98 = arith.constant 0 : i32
      %dma_start3A_99 = arith.constant 0 : i32
      %dma_start3A_100 = tpu.memref_slice %arg3[%dma_start3A_98, %dma_start3A_99] : memref<1000000x64xf32, #tpu.memory_space<hbm>> -> memref<1000000x64xf32, #tpu.memory_space<hbm>>
      tpu.enqueue_indirect_dma source(%dma_start3A_100 : memref<1000000x64xf32, #tpu.memory_space<hbm>>) target(%dma_start3A_94 : memref<100x64xf32, #tpu.memory_space<vmem>>) offsets(%dma_start3A_97 : memref<100xi32, #tpu.memory_space<vmem>>) semaphore(%arg12 : memref<!tpu.dma_semaphore, #tpu.memory_space<semaphore_mem>>)
      %mul3A_101 = arith.constant 4 : i32
      %mul3A_102 = arith.muli %mul3A_101, %and3A_61 : i32
      %add3A_103 = arith.constant 3 : i32
      %add3A_104 = arith.addi %mul3A_102, %add3A_103 : i32
      %dma_start3A_105 = arith.constant 300 : i32
      %dma_start3A_106 = arith.constant 0 : i32
      %dma_start3A_107 = tpu.memref_slice %arg8[%dma_start3A_105, %dma_start3A_106] : memref<400x64xf32, #tpu.memory_space<vmem>> -> memref<100x64xf32, #tpu.memory_space<vmem>>
      %dma_start3A_108 = arith.constant 0 : i32
      %dma_start3A_109 = tpu.memref_slice %arg6[%add3A_104, %dma_start3A_108] : memref<512x100xi32, #tpu.memory_space<vmem>> -> memref<1x100xi32, #tpu.memory_space<vmem>>
      %dma_start3A_110 = tpu.memref_squeeze %dma_start3A_109 : memref<1x100xi32, #tpu.memory_space<vmem>> -> memref<100xi32, #tpu.memory_space<vmem>>
      %dma_start3A_111 = arith.constant 0 : i32
      %dma_start3A_112 = arith.constant 0 : i32
      %dma_start3A_113 = tpu.memref_slice %arg3[%dma_start3A_111, %dma_start3A_112] : memref<1000000x64xf32, #tpu.memory_space<hbm>> -> memref<1000000x64xf32, #tpu.memory_space<hbm>>
      tpu.enqueue_indirect_dma source(%dma_start3A_113 : memref<1000000x64xf32, #tpu.memory_space<hbm>>) target(%dma_start3A_107 : memref<100x64xf32, #tpu.memory_space<vmem>>) offsets(%dma_start3A_110 : memref<100xi32, #tpu.memory_space<vmem>>) semaphore(%arg12 : memref<!tpu.dma_semaphore, #tpu.memory_space<semaphore_mem>>)
      %dma_wait3A_114 = arith.constant 0 : i32
      %dma_wait3A_115 = arith.constant 0 : i32
      %dma_wait3A_116 = tpu.memref_slice %arg3[%dma_wait3A_114, %dma_wait3A_115] : memref<1000000x64xf32, #tpu.memory_space<hbm>> -> memref<400x64xf32, #tpu.memory_space<hbm>>
      %dma_wait3A_117 = arith.constant 0 : i32
      %dma_wait3A_118 = arith.constant 0 : i32
      %dma_wait3A_119 = tpu.memref_slice %arg3[%dma_wait3A_117, %dma_wait3A_118] : memref<1000000x64xf32, #tpu.memory_space<hbm>> -> memref<400x64xf32, #tpu.memory_space<hbm>>
      tpu.wait_dma2 semaphore(%arg11 : memref<!tpu.dma_semaphore, #tpu.memory_space<semaphore_mem>>) src(%dma_wait3A_119 : memref<400x64xf32, #tpu.memory_space<hbm>>) dst(%arg7 : memref<400x64xf32, #tpu.memory_space<vmem>>)
      %broadcast_in_dim3A_120 = arith.constant 0xFF800000 : f32
      %broadcast_in_dim3A_121 = vector.broadcast %broadcast_in_dim3A_120 : f32 to vector<16xf32>
      %scan3A_122 = arith.constant 0 : i32
      %scan3A_123 = arith.constant 200 : i32
      %scan3A_124 = arith.addi %scan3A_122, %scan3A_123 : i32
      %scan3A_125 = arith.constant 2 : i32
      %scan3A_126:8 = scf.for %scan3A_360 = %scan3A_122 to %scan3A_124 step %scan3A_125 iter_args(%scan3A_361 = %broadcast_in_dim3A_121, %scan3A_362 = %broadcast_in_dim3A_121, %scan3A_363 = %broadcast_in_dim3A_121, %scan3A_364 = %broadcast_in_dim3A_121, %scan3A_365 = %broadcast_in_dim3A_121, %scan3A_366 = %broadcast_in_dim3A_121, %scan3A_367 = %broadcast_in_dim3A_121, %scan3A_368 = %broadcast_in_dim3A_121) -> (vector<16xf32>, vector<16xf32>, vector<16xf32>, vector<16xf32>, vector<16xf32>, vector<16xf32>, vector<16xf32>, vector<16xf32>)  : i32 {
        %get3A_369 = arith.index_cast %scan3A_360 : i32 to index
        %get3A_370 = arith.constant 0 : index
        %get3A_371 = tpu.vector_load %arg7[%get3A_369, %get3A_370] {strides = array<i32>} : memref<400x64xf32, #tpu.memory_space<vmem>>, vector<16xf32>,
        %max3A = arith.maximumf %scan3A_361, %get3A_371 : vector<16xf32>
        %get3A_372 = arith.index_cast %scan3A_360 : i32 to index
        %get3A_373 = arith.constant 16 : index
        %get3A_374 = tpu.vector_load %arg7[%get3A_372, %get3A_373] {strides = array<i32>} : memref<400x64xf32, #tpu.memory_space<vmem>>, vector<16xf32>,
        %max3A_375 = arith.maximumf %scan3A_362, %get3A_374 : vector<16xf32>
        %get3A_376 = arith.index_cast %scan3A_360 : i32 to index
        %get3A_377 = arith.constant 32 : index
        %get3A_378 = tpu.vector_load %arg7[%get3A_376, %get3A_377] {strides = array<i32>} : memref<400x64xf32, #tpu.memory_space<vmem>>, vector<16xf32>,
        %max3A_379 = arith.maximumf %scan3A_363, %get3A_378 : vector<16xf32>
        %get3A_380 = arith.index_cast %scan3A_360 : i32 to index
        %get3A_381 = arith.constant 48 : index
        %get3A_382 = tpu.vector_load %arg7[%get3A_380, %get3A_381] {strides = array<i32>} : memref<400x64xf32, #tpu.memory_space<vmem>>, vector<16xf32>,
        %max3A_383 = arith.maximumf %scan3A_364, %get3A_382 : vector<16xf32>
        %add3A_384 = arith.constant 200 : i32
        %add3A_385 = arith.addi %add3A_384, %scan3A_360 : i32
        %get3A_386 = arith.index_cast %add3A_385 : i32 to index
        %get3A_387 = arith.constant 0 : index
        %get3A_388 = tpu.vector_load %arg7[%get3A_386, %get3A_387] {strides = array<i32>} : memref<400x64xf32, #tpu.memory_space<vmem>>, vector<16xf32>,
        %max3A_389 = arith.maximumf %scan3A_365, %get3A_388 : vector<16xf32>
        %add3A_390 = arith.constant 200 : i32
        %add3A_391 = arith.addi %add3A_390, %scan3A_360 : i32
        %get3A_392 = arith.index_cast %add3A_391 : i32 to index
        %get3A_393 = arith.constant 16 : index
        %get3A_394 = tpu.vector_load %arg7[%get3A_392, %get3A_393] {strides = array<i32>} : memref<400x64xf32, #tpu.memory_space<vmem>>, vector<16xf32>,
        %max3A_395 = arith.maximumf %scan3A_366, %get3A_394 : vector<16xf32>
        %add3A_396 = arith.constant 200 : i32
        %add3A_397 = arith.addi %add3A_396, %scan3A_360 : i32
        %get3A_398 = arith.index_cast %add3A_397 : i32 to index
        %get3A_399 = arith.constant 32 : index
        %get3A_400 = tpu.vector_load %arg7[%get3A_398, %get3A_399] {strides = array<i32>} : memref<400x64xf32, #tpu.memory_space<vmem>>, vector<16xf32>,
        %max3A_401 = arith.maximumf %scan3A_367, %get3A_400 : vector<16xf32>
        %add3A_402 = arith.constant 200 : i32
        %add3A_403 = arith.addi %add3A_402, %scan3A_360 : i32
        %get3A_404 = arith.index_cast %add3A_403 : i32 to index
        %get3A_405 = arith.constant 48 : index
        %get3A_406 = tpu.vector_load %arg7[%get3A_404, %get3A_405] {strides = array<i32>} : memref<400x64xf32, #tpu.memory_space<vmem>>, vector<16xf32>,
        %max3A_407 = arith.maximumf %scan3A_368, %get3A_406 : vector<16xf32>
        %scan3A_408 = arith.constant 1 : i32
        %scan3A_409 = arith.addi %scan3A_360, %scan3A_408 : i32
        %get3A_410 = arith.index_cast %scan3A_409 : i32 to index
        %get3A_411 = arith.constant 0 : index
        %get3A_412 = tpu.vector_load %arg7[%get3A_410, %get3A_411] {strides = array<i32>} : memref<400x64xf32, #tpu.memory_space<vmem>>, vector<16xf32>,
        %max3A_413 = arith.maximumf %max3A, %get3A_412 : vector<16xf32>
        %get3A_414 = arith.index_cast %scan3A_409 : i32 to index
        %get3A_415 = arith.constant 16 : index
        %get3A_416 = tpu.vector_load %arg7[%get3A_414, %get3A_415] {strides = array<i32>} : memref<400x64xf32, #tpu.memory_space<vmem>>, vector<16xf32>,
        %max3A_417 = arith.maximumf %max3A_375, %get3A_416 : vector<16xf32>
        %get3A_418 = arith.index_cast %scan3A_409 : i32 to index
        %get3A_419 = arith.constant 32 : index
        %get3A_420 = tpu.vector_load %arg7[%get3A_418, %get3A_419] {strides = array<i32>} : memref<400x64xf32, #tpu.memory_space<vmem>>, vector<16xf32>,
        %max3A_421 = arith.maximumf %max3A_379, %get3A_420 : vector<16xf32>
        %get3A_422 = arith.index_cast %scan3A_409 : i32 to index
        %get3A_423 = arith.constant 48 : index
        %get3A_424 = tpu.vector_load %arg7[%get3A_422, %get3A_423] {strides = array<i32>} : memref<400x64xf32, #tpu.memory_space<vmem>>, vector<16xf32>,
        %max3A_425 = arith.maximumf %max3A_383, %get3A_424 : vector<16xf32>
        %add3A_426 = arith.constant 200 : i32
        %add3A_427 = arith.addi %add3A_426, %scan3A_409 : i32
        %get3A_428 = arith.index_cast %add3A_427 : i32 to index
        %get3A_429 = arith.constant 0 : index
        %get3A_430 = tpu.vector_load %arg7[%get3A_428, %get3A_429] {strides = array<i32>} : memref<400x64xf32, #tpu.memory_space<vmem>>, vector<16xf32>,
        %max3A_431 = arith.maximumf %max3A_389, %get3A_430 : vector<16xf32>
        %add3A_432 = arith.constant 200 : i32
        %add3A_433 = arith.addi %add3A_432, %scan3A_409 : i32
        %get3A_434 = arith.index_cast %add3A_433 : i32 to index
        %get3A_435 = arith.constant 16 : index
        %get3A_436 = tpu.vector_load %arg7[%get3A_434, %get3A_435] {strides = array<i32>} : memref<400x64xf32, #tpu.memory_space<vmem>>, vector<16xf32>,
        %max3A_437 = arith.maximumf %max3A_395, %get3A_436 : vector<16xf32>
        %add3A_438 = arith.constant 200 : i32
        %add3A_439 = arith.addi %add3A_438, %scan3A_409 : i32
        %get3A_440 = arith.index_cast %add3A_439 : i32 to index
        %get3A_441 = arith.constant 32 : index
        %get3A_442 = tpu.vector_load %arg7[%get3A_440, %get3A_441] {strides = array<i32>} : memref<400x64xf32, #tpu.memory_space<vmem>>, vector<16xf32>,
        %max3A_443 = arith.maximumf %max3A_401, %get3A_442 : vector<16xf32>
        %add3A_444 = arith.constant 200 : i32
        %add3A_445 = arith.addi %add3A_444, %scan3A_409 : i32
        %get3A_446 = arith.index_cast %add3A_445 : i32 to index
        %get3A_447 = arith.constant 48 : index
        %get3A_448 = tpu.vector_load %arg7[%get3A_446, %get3A_447] {strides = array<i32>} : memref<400x64xf32, #tpu.memory_space<vmem>>, vector<16xf32>,
        %max3A_449 = arith.maximumf %max3A_407, %get3A_448 : vector<16xf32>
        scf.yield %max3A_413, %max3A_417, %max3A_421, %max3A_425, %max3A_431, %max3A_437, %max3A_443, %max3A_449 : vector<16xf32>, vector<16xf32>, vector<16xf32>, vector<16xf32>, vector<16xf32>, vector<16xf32>, vector<16xf32>, vector<16xf32>
      }
      %scan3A_127 = arith.constant 200 : i32
      %broadcast_in_dim3A_128 = arith.constant 0.000000e+00 : f32
      %broadcast_in_dim3A_129 = vector.broadcast %broadcast_in_dim3A_128 : f32 to vector<16xf32>
      %get3A = arith.constant 0 : index
      %get3A_130 = tpu.vector_load %arg9[%get3A] {strides = array<i32>} : memref<144xf32, #tpu.memory_space<vmem>>, vector<16xf32>,
      %mul3A_131 = arith.mulf %scan3A_126#0, %get3A_130 : vector<16xf32>
      %add3A_132 = arith.addf %broadcast_in_dim3A_129, %mul3A_131 : vector<16xf32>
      %get3A_133 = arith.constant 16 : index
      %get3A_134 = tpu.vector_load %arg9[%get3A_133] {strides = array<i32>} : memref<144xf32, #tpu.memory_space<vmem>>, vector<16xf32>,
      %mul3A_135 = arith.mulf %scan3A_126#1, %get3A_134 : vector<16xf32>
      %add3A_136 = arith.addf %add3A_132, %mul3A_135 : vector<16xf32>
      %get3A_137 = arith.constant 32 : index
      %get3A_138 = tpu.vector_load %arg9[%get3A_137] {strides = array<i32>} : memref<144xf32, #tpu.memory_space<vmem>>, vector<16xf32>,
      %mul3A_139 = arith.mulf %scan3A_126#2, %get3A_138 : vector<16xf32>
      %add3A_140 = arith.addf %add3A_136, %mul3A_139 : vector<16xf32>
      %get3A_141 = arith.constant 48 : index
      %get3A_142 = tpu.vector_load %arg9[%get3A_141] {strides = array<i32>} : memref<144xf32, #tpu.memory_space<vmem>>, vector<16xf32>,
      %mul3A_143 = arith.mulf %scan3A_126#3, %get3A_142 : vector<16xf32>
      %add3A_144 = arith.addf %add3A_140, %mul3A_143 : vector<16xf32>
      %get3A_145 = arith.constant 64 : index
      %get3A_146 = tpu.vector_load %arg9[%get3A_145] {strides = array<i32>} : memref<144xf32, #tpu.memory_space<vmem>>, vector<16xf32>,
      %mul3A_147 = arith.mulf %scan3A_126#4, %get3A_146 : vector<16xf32>
      %add3A_148 = arith.addf %add3A_144, %mul3A_147 : vector<16xf32>
      %get3A_149 = arith.constant 80 : index
      %get3A_150 = tpu.vector_load %arg9[%get3A_149] {strides = array<i32>} : memref<144xf32, #tpu.memory_space<vmem>>, vector<16xf32>,
      %mul3A_151 = arith.mulf %scan3A_126#5, %get3A_150 : vector<16xf32>
      %add3A_152 = arith.addf %add3A_148, %mul3A_151 : vector<16xf32>
      %get3A_153 = arith.constant 96 : index
      %get3A_154 = tpu.vector_load %arg9[%get3A_153] {strides = array<i32>} : memref<144xf32, #tpu.memory_space<vmem>>, vector<16xf32>,
      %mul3A_155 = arith.mulf %scan3A_126#6, %get3A_154 : vector<16xf32>
      %add3A_156 = arith.addf %add3A_152, %mul3A_155 : vector<16xf32>
      %get3A_157 = arith.constant 112 : index
      %get3A_158 = tpu.vector_load %arg9[%get3A_157] {strides = array<i32>} : memref<144xf32, #tpu.memory_space<vmem>>, vector<16xf32>,
      %mul3A_159 = arith.mulf %scan3A_126#7, %get3A_158 : vector<16xf32>
      %add3A_160 = arith.addf %add3A_156, %mul3A_159 : vector<16xf32>
      %xor3A = arith.constant 8 : i32
      %xor3A_161 = vector.broadcast %xor3A : i32 to vector<16xi32>
      %xor3A_162 = arith.xori %iota3A, %xor3A_161 : vector<16xi32>
      %reshape3A = vector.shape_cast %xor3A_162 : vector<16xi32> to vector<16x1xi32>
      %gather3A = vector.shape_cast %reshape3A : vector<16x1xi32> to vector<16xi32>
      %gather3A_163 = tpu.dynamic_gather %add3A_160[%gather3A] in [0] : vector<16xf32>, vector<16xi32> -> vector<16xf32>
      %add3A_164 = arith.addf %add3A_160, %gather3A_163 : vector<16xf32>
      %xor3A_165 = arith.constant 4 : i32
      %xor3A_166 = vector.broadcast %xor3A_165 : i32 to vector<16xi32>
      %xor3A_167 = arith.xori %iota3A, %xor3A_166 : vector<16xi32>
      %reshape3A_168 = vector.shape_cast %xor3A_167 : vector<16xi32> to vector<16x1xi32>
      %gather3A_169 = vector.shape_cast %reshape3A_168 : vector<16x1xi32> to vector<16xi32>
      %gather3A_170 = tpu.dynamic_gather %add3A_164[%gather3A_169] in [0] : vector<16xf32>, vector<16xi32> -> vector<16xf32>
      %add3A_171 = arith.addf %add3A_164, %gather3A_170 : vector<16xf32>
      %xor3A_172 = arith.constant 2 : i32
      %xor3A_173 = vector.broadcast %xor3A_172 : i32 to vector<16xi32>
      %xor3A_174 = arith.xori %iota3A, %xor3A_173 : vector<16xi32>
      %reshape3A_175 = vector.shape_cast %xor3A_174 : vector<16xi32> to vector<16x1xi32>
      %gather3A_176 = vector.shape_cast %reshape3A_175 : vector<16x1xi32> to vector<16xi32>
      %gather3A_177 = tpu.dynamic_gather %add3A_171[%gather3A_176] in [0] : vector<16xf32>, vector<16xi32> -> vector<16xf32>
      %add3A_178 = arith.addf %add3A_171, %gather3A_177 : vector<16xf32>
      %xor3A_179 = arith.constant 1 : i32
      %xor3A_180 = vector.broadcast %xor3A_179 : i32 to vector<16xi32>
      %xor3A_181 = arith.xori %iota3A, %xor3A_180 : vector<16xi32>
      %reshape3A_182 = vector.shape_cast %xor3A_181 : vector<16xi32> to vector<16x1xi32>
      %gather3A_183 = vector.shape_cast %reshape3A_182 : vector<16x1xi32> to vector<16xi32>
      %gather3A_184 = tpu.dynamic_gather %add3A_178[%gather3A_183] in [0] : vector<16xf32>, vector<16xi32> -> vector<16xf32>
      %add3A_185 = arith.addf %add3A_178, %gather3A_184 : vector<16xf32>
      %get3A_186 = arith.constant 128 : index
      %get3A_187 = tpu.vector_load %arg9[%get3A_186] {strides = array<i32>} : memref<144xf32, #tpu.memory_space<vmem>>, vector<16xf32>,
      %add3A_188 = arith.addf %get3A_187, %add3A_185 : vector<16xf32>
      %neg3A = arith.constant 0.000000e+00 : f32
      %neg3A_189 = vector.broadcast %neg3A : f32 to vector<16xf32>
      %neg3A_190 = arith.subf %neg3A_189, %add3A_188 : vector<16xf32>
      %exp3A = math.exp %neg3A_190 : vector<16xf32>
      %add3A_191 = arith.constant 1.000000e+00 : f32
      %add3A_192 = vector.broadcast %add3A_191 : f32 to vector<16xf32>
      %add3A_193 = arith.addf %add3A_192, %exp3A : vector<16xf32>
      %div3A = arith.constant 1.000000e+00 : f32
      %div3A_194 = vector.broadcast %div3A : f32 to vector<16xf32>
      %div3A_195 = arith.divf %div3A_194, %add3A_193 : vector<16xf32>
      %and3A_196 = arith.constant 15 : i32
      %and3A_197 = arith.andi %mul3A_58, %and3A_196 : i32
      %eq3A = vector.broadcast %and3A_197 : i32 to vector<16xi32>
      %eq3A_198 = arith.cmpi eq, %iota3A, %eq3A : vector<16xi32>
      %select_n3A = arith.select %eq3A_198, %div3A_195, %scan3A_56 : vector<16xi1>, vector<16xf32>
      %add3A_199 = arith.constant 2 : i32
      %add3A_200 = arith.addi %mul3A_58, %add3A_199 : i32
      %and3A_201 = arith.constant 127 : i32
      %and3A_202 = arith.andi %add3A_200, %and3A_201 : i32
      %mul3A_203 = arith.constant 4 : i32
      %mul3A_204 = arith.muli %mul3A_203, %and3A_202 : i32
      %add3A_205 = arith.constant 0 : i32
      %add3A_206 = arith.addi %mul3A_204, %add3A_205 : i32
      %dma_start3A_207 = arith.constant 0 : i32
      %dma_start3A_208 = arith.constant 0 : i32
      %dma_start3A_209 = tpu.memref_slice %arg7[%dma_start3A_207, %dma_start3A_208] : memref<400x64xf32, #tpu.memory_space<vmem>> -> memref<100x64xf32, #tpu.memory_space<vmem>>
      %dma_start3A_210 = arith.constant 0 : i32
      %dma_start3A_211 = tpu.memref_slice %arg6[%add3A_206, %dma_start3A_210] : memref<512x100xi32, #tpu.memory_space<vmem>> -> memref<1x100xi32, #tpu.memory_space<vmem>>
      %dma_start3A_212 = tpu.memref_squeeze %dma_start3A_211 : memref<1x100xi32, #tpu.memory_space<vmem>> -> memref<100xi32, #tpu.memory_space<vmem>>
      %dma_start3A_213 = arith.constant 0 : i32
      %dma_start3A_214 = arith.constant 0 : i32
      %dma_start3A_215 = tpu.memref_slice %arg3[%dma_start3A_213, %dma_start3A_214] : memref<1000000x64xf32, #tpu.memory_space<hbm>> -> memref<1000000x64xf32, #tpu.memory_space<hbm>>
      tpu.enqueue_indirect_dma source(%dma_start3A_215 : memref<1000000x64xf32, #tpu.memory_space<hbm>>) target(%dma_start3A_209 : memref<100x64xf32, #tpu.memory_space<vmem>>) offsets(%dma_start3A_212 : memref<100xi32, #tpu.memory_space<vmem>>) semaphore(%arg11 : memref<!tpu.dma_semaphore, #tpu.memory_space<semaphore_mem>>)
      %mul3A_216 = arith.constant 4 : i32
      %mul3A_217 = arith.muli %mul3A_216, %and3A_202 : i32
      %add3A_218 = arith.constant 1 : i32
      %add3A_219 = arith.addi %mul3A_217, %add3A_218 : i32
      %dma_start3A_220 = arith.constant 100 : i32
      %dma_start3A_221 = arith.constant 0 : i32
      %dma_start3A_222 = tpu.memref_slice %arg7[%dma_start3A_220, %dma_start3A_221] : memref<400x64xf32, #tpu.memory_space<vmem>> -> memref<100x64xf32, #tpu.memory_space<vmem>>
      %dma_start3A_223 = arith.constant 0 : i32
      %dma_start3A_224 = tpu.memref_slice %arg6[%add3A_219, %dma_start3A_223] : memref<512x100xi32, #tpu.memory_space<vmem>> -> memref<1x100xi32, #tpu.memory_space<vmem>>
      %dma_start3A_225 = tpu.memref_squeeze %dma_start3A_224 : memref<1x100xi32, #tpu.memory_space<vmem>> -> memref<100xi32, #tpu.memory_space<vmem>>
      %dma_start3A_226 = arith.constant 0 : i32
      %dma_start3A_227 = arith.constant 0 : i32
      %dma_start3A_228 = tpu.memref_slice %arg3[%dma_start3A_226, %dma_start3A_227] : memref<1000000x64xf32, #tpu.memory_space<hbm>> -> memref<1000000x64xf32, #tpu.memory_space<hbm>>
      tpu.enqueue_indirect_dma source(%dma_start3A_228 : memref<1000000x64xf32, #tpu.memory_space<hbm>>) target(%dma_start3A_222 : memref<100x64xf32, #tpu.memory_space<vmem>>) offsets(%dma_start3A_225 : memref<100xi32, #tpu.memory_space<vmem>>) semaphore(%arg11 : memref<!tpu.dma_semaphore, #tpu.memory_space<semaphore_mem>>)
      %mul3A_229 = arith.constant 4 : i32
      %mul3A_230 = arith.muli %mul3A_229, %and3A_202 : i32
      %add3A_231 = arith.constant 2 : i32
      %add3A_232 = arith.addi %mul3A_230, %add3A_231 : i32
      %dma_start3A_233 = arith.constant 200 : i32
      %dma_start3A_234 = arith.constant 0 : i32
      %dma_start3A_235 = tpu.memref_slice %arg7[%dma_start3A_233, %dma_start3A_234] : memref<400x64xf32, #tpu.memory_space<vmem>> -> memref<100x64xf32, #tpu.memory_space<vmem>>
      %dma_start3A_236 = arith.constant 0 : i32
      %dma_start3A_237 = tpu.memref_slice %arg6[%add3A_232, %dma_start3A_236] : memref<512x100xi32, #tpu.memory_space<vmem>> -> memref<1x100xi32, #tpu.memory_space<vmem>>
      %dma_start3A_238 = tpu.memref_squeeze %dma_start3A_237 : memref<1x100xi32, #tpu.memory_space<vmem>> -> memref<100xi32, #tpu.memory_space<vmem>>
      %dma_start3A_239 = arith.constant 0 : i32
      %dma_start3A_240 = arith.constant 0 : i32
      %dma_start3A_241 = tpu.memref_slice %arg3[%dma_start3A_239, %dma_start3A_240] : memref<1000000x64xf32, #tpu.memory_space<hbm>> -> memref<1000000x64xf32, #tpu.memory_space<hbm>>
      tpu.enqueue_indirect_dma source(%dma_start3A_241 : memref<1000000x64xf32, #tpu.memory_space<hbm>>) target(%dma_start3A_235 : memref<100x64xf32, #tpu.memory_space<vmem>>) offsets(%dma_start3A_238 : memref<100xi32, #tpu.memory_space<vmem>>) semaphore(%arg11 : memref<!tpu.dma_semaphore, #tpu.memory_space<semaphore_mem>>)
      %mul3A_242 = arith.constant 4 : i32
      %mul3A_243 = arith.muli %mul3A_242, %and3A_202 : i32
      %add3A_244 = arith.constant 3 : i32
      %add3A_245 = arith.addi %mul3A_243, %add3A_244 : i32
      %dma_start3A_246 = arith.constant 300 : i32
      %dma_start3A_247 = arith.constant 0 : i32
      %dma_start3A_248 = tpu.memref_slice %arg7[%dma_start3A_246, %dma_start3A_247] : memref<400x64xf32, #tpu.memory_space<vmem>> -> memref<100x64xf32, #tpu.memory_space<vmem>>
      %dma_start3A_249 = arith.constant 0 : i32
      %dma_start3A_250 = tpu.memref_slice %arg6[%add3A_245, %dma_start3A_249] : memref<512x100xi32, #tpu.memory_space<vmem>> -> memref<1x100xi32, #tpu.memory_space<vmem>>
      %dma_start3A_251 = tpu.memref_squeeze %dma_start3A_250 : memref<1x100xi32, #tpu.memory_space<vmem>> -> memref<100xi32, #tpu.memory_space<vmem>>
      %dma_start3A_252 = arith.constant 0 : i32
      %dma_start3A_253 = arith.constant 0 : i32
      %dma_start3A_254 = tpu.memref_slice %arg3[%dma_start3A_252, %dma_start3A_253] : memref<1000000x64xf32, #tpu.memory_space<hbm>> -> memref<1000000x64xf32, #tpu.memory_space<hbm>>
      tpu.enqueue_indirect_dma source(%dma_start3A_254 : memref<1000000x64xf32, #tpu.memory_space<hbm>>) target(%dma_start3A_248 : memref<100x64xf32, #tpu.memory_space<vmem>>) offsets(%dma_start3A_251 : memref<100xi32, #tpu.memory_space<vmem>>) semaphore(%arg11 : memref<!tpu.dma_semaphore, #tpu.memory_space<semaphore_mem>>)
      %dma_wait3A_255 = arith.constant 0 : i32
      %dma_wait3A_256 = arith.constant 0 : i32
      %dma_wait3A_257 = tpu.memref_slice %arg3[%dma_wait3A_255, %dma_wait3A_256] : memref<1000000x64xf32, #tpu.memory_space<hbm>> -> memref<400x64xf32, #tpu.memory_space<hbm>>
      %dma_wait3A_258 = arith.constant 0 : i32
      %dma_wait3A_259 = arith.constant 0 : i32
      %dma_wait3A_260 = tpu.memref_slice %arg3[%dma_wait3A_258, %dma_wait3A_259] : memref<1000000x64xf32, #tpu.memory_space<hbm>> -> memref<400x64xf32, #tpu.memory_space<hbm>>
      tpu.wait_dma2 semaphore(%arg12 : memref<!tpu.dma_semaphore, #tpu.memory_space<semaphore_mem>>) src(%dma_wait3A_260 : memref<400x64xf32, #tpu.memory_space<hbm>>) dst(%arg8 : memref<400x64xf32, #tpu.memory_space<vmem>>)
      %add3A_261 = arith.constant 1 : i32
      %add3A_262 = arith.addi %mul3A_58, %add3A_261 : i32
      %broadcast_in_dim3A_263 = arith.constant 0xFF800000 : f32
      %broadcast_in_dim3A_264 = vector.broadcast %broadcast_in_dim3A_263 : f32 to vector<16xf32>
      %scan3A_265 = arith.constant 0 : i32
      %scan3A_266 = arith.constant 200 : i32
      %scan3A_267 = arith.addi %scan3A_265, %scan3A_266 : i32
      %scan3A_268 = arith.constant 2 : i32
      %scan3A_269:8 = scf.for %scan3A_360 = %scan3A_265 to %scan3A_267 step %scan3A_268 iter_args(%scan3A_361 = %broadcast_in_dim3A_264, %scan3A_362 = %broadcast_in_dim3A_264, %scan3A_363 = %broadcast_in_dim3A_264, %scan3A_364 = %broadcast_in_dim3A_264, %scan3A_365 = %broadcast_in_dim3A_264, %scan3A_366 = %broadcast_in_dim3A_264, %scan3A_367 = %broadcast_in_dim3A_264, %scan3A_368 = %broadcast_in_dim3A_264) -> (vector<16xf32>, vector<16xf32>, vector<16xf32>, vector<16xf32>, vector<16xf32>, vector<16xf32>, vector<16xf32>, vector<16xf32>)  : i32 {
        %get3A_369 = arith.index_cast %scan3A_360 : i32 to index
        %get3A_370 = arith.constant 0 : index
        %get3A_371 = tpu.vector_load %arg8[%get3A_369, %get3A_370] {strides = array<i32>} : memref<400x64xf32, #tpu.memory_space<vmem>>, vector<16xf32>,
        %max3A = arith.maximumf %scan3A_361, %get3A_371 : vector<16xf32>
        %get3A_372 = arith.index_cast %scan3A_360 : i32 to index
        %get3A_373 = arith.constant 16 : index
        %get3A_374 = tpu.vector_load %arg8[%get3A_372, %get3A_373] {strides = array<i32>} : memref<400x64xf32, #tpu.memory_space<vmem>>, vector<16xf32>,
        %max3A_375 = arith.maximumf %scan3A_362, %get3A_374 : vector<16xf32>
        %get3A_376 = arith.index_cast %scan3A_360 : i32 to index
        %get3A_377 = arith.constant 32 : index
        %get3A_378 = tpu.vector_load %arg8[%get3A_376, %get3A_377] {strides = array<i32>} : memref<400x64xf32, #tpu.memory_space<vmem>>, vector<16xf32>,
        %max3A_379 = arith.maximumf %scan3A_363, %get3A_378 : vector<16xf32>
        %get3A_380 = arith.index_cast %scan3A_360 : i32 to index
        %get3A_381 = arith.constant 48 : index
        %get3A_382 = tpu.vector_load %arg8[%get3A_380, %get3A_381] {strides = array<i32>} : memref<400x64xf32, #tpu.memory_space<vmem>>, vector<16xf32>,
        %max3A_383 = arith.maximumf %scan3A_364, %get3A_382 : vector<16xf32>
        %add3A_384 = arith.constant 200 : i32
        %add3A_385 = arith.addi %add3A_384, %scan3A_360 : i32
        %get3A_386 = arith.index_cast %add3A_385 : i32 to index
        %get3A_387 = arith.constant 0 : index
        %get3A_388 = tpu.vector_load %arg8[%get3A_386, %get3A_387] {strides = array<i32>} : memref<400x64xf32, #tpu.memory_space<vmem>>, vector<16xf32>,
        %max3A_389 = arith.maximumf %scan3A_365, %get3A_388 : vector<16xf32>
        %add3A_390 = arith.constant 200 : i32
        %add3A_391 = arith.addi %add3A_390, %scan3A_360 : i32
        %get3A_392 = arith.index_cast %add3A_391 : i32 to index
        %get3A_393 = arith.constant 16 : index
        %get3A_394 = tpu.vector_load %arg8[%get3A_392, %get3A_393] {strides = array<i32>} : memref<400x64xf32, #tpu.memory_space<vmem>>, vector<16xf32>,
        %max3A_395 = arith.maximumf %scan3A_366, %get3A_394 : vector<16xf32>
        %add3A_396 = arith.constant 200 : i32
        %add3A_397 = arith.addi %add3A_396, %scan3A_360 : i32
        %get3A_398 = arith.index_cast %add3A_397 : i32 to index
        %get3A_399 = arith.constant 32 : index
        %get3A_400 = tpu.vector_load %arg8[%get3A_398, %get3A_399] {strides = array<i32>} : memref<400x64xf32, #tpu.memory_space<vmem>>, vector<16xf32>,
        %max3A_401 = arith.maximumf %scan3A_367, %get3A_400 : vector<16xf32>
        %add3A_402 = arith.constant 200 : i32
        %add3A_403 = arith.addi %add3A_402, %scan3A_360 : i32
        %get3A_404 = arith.index_cast %add3A_403 : i32 to index
        %get3A_405 = arith.constant 48 : index
        %get3A_406 = tpu.vector_load %arg8[%get3A_404, %get3A_405] {strides = array<i32>} : memref<400x64xf32, #tpu.memory_space<vmem>>, vector<16xf32>,
        %max3A_407 = arith.maximumf %scan3A_368, %get3A_406 : vector<16xf32>
        %scan3A_408 = arith.constant 1 : i32
        %scan3A_409 = arith.addi %scan3A_360, %scan3A_408 : i32
        %get3A_410 = arith.index_cast %scan3A_409 : i32 to index
        %get3A_411 = arith.constant 0 : index
        %get3A_412 = tpu.vector_load %arg8[%get3A_410, %get3A_411] {strides = array<i32>} : memref<400x64xf32, #tpu.memory_space<vmem>>, vector<16xf32>,
        %max3A_413 = arith.maximumf %max3A, %get3A_412 : vector<16xf32>
        %get3A_414 = arith.index_cast %scan3A_409 : i32 to index
        %get3A_415 = arith.constant 16 : index
        %get3A_416 = tpu.vector_load %arg8[%get3A_414, %get3A_415] {strides = array<i32>} : memref<400x64xf32, #tpu.memory_space<vmem>>, vector<16xf32>,
        %max3A_417 = arith.maximumf %max3A_375, %get3A_416 : vector<16xf32>
        %get3A_418 = arith.index_cast %scan3A_409 : i32 to index
        %get3A_419 = arith.constant 32 : index
        %get3A_420 = tpu.vector_load %arg8[%get3A_418, %get3A_419] {strides = array<i32>} : memref<400x64xf32, #tpu.memory_space<vmem>>, vector<16xf32>,
        %max3A_421 = arith.maximumf %max3A_379, %get3A_420 : vector<16xf32>
        %get3A_422 = arith.index_cast %scan3A_409 : i32 to index
        %get3A_423 = arith.constant 48 : index
        %get3A_424 = tpu.vector_load %arg8[%get3A_422, %get3A_423] {strides = array<i32>} : memref<400x64xf32, #tpu.memory_space<vmem>>, vector<16xf32>,
        %max3A_425 = arith.maximumf %max3A_383, %get3A_424 : vector<16xf32>
        %add3A_426 = arith.constant 200 : i32
        %add3A_427 = arith.addi %add3A_426, %scan3A_409 : i32
        %get3A_428 = arith.index_cast %add3A_427 : i32 to index
        %get3A_429 = arith.constant 0 : index
        %get3A_430 = tpu.vector_load %arg8[%get3A_428, %get3A_429] {strides = array<i32>} : memref<400x64xf32, #tpu.memory_space<vmem>>, vector<16xf32>,
        %max3A_431 = arith.maximumf %max3A_389, %get3A_430 : vector<16xf32>
        %add3A_432 = arith.constant 200 : i32
        %add3A_433 = arith.addi %add3A_432, %scan3A_409 : i32
        %get3A_434 = arith.index_cast %add3A_433 : i32 to index
        %get3A_435 = arith.constant 16 : index
        %get3A_436 = tpu.vector_load %arg8[%get3A_434, %get3A_435] {strides = array<i32>} : memref<400x64xf32, #tpu.memory_space<vmem>>, vector<16xf32>,
        %max3A_437 = arith.maximumf %max3A_395, %get3A_436 : vector<16xf32>
        %add3A_438 = arith.constant 200 : i32
        %add3A_439 = arith.addi %add3A_438, %scan3A_409 : i32
        %get3A_440 = arith.index_cast %add3A_439 : i32 to index
        %get3A_441 = arith.constant 32 : index
        %get3A_442 = tpu.vector_load %arg8[%get3A_440, %get3A_441] {strides = array<i32>} : memref<400x64xf32, #tpu.memory_space<vmem>>, vector<16xf32>,
        %max3A_443 = arith.maximumf %max3A_401, %get3A_442 : vector<16xf32>
        %add3A_444 = arith.constant 200 : i32
        %add3A_445 = arith.addi %add3A_444, %scan3A_409 : i32
        %get3A_446 = arith.index_cast %add3A_445 : i32 to index
        %get3A_447 = arith.constant 48 : index
        %get3A_448 = tpu.vector_load %arg8[%get3A_446, %get3A_447] {strides = array<i32>} : memref<400x64xf32, #tpu.memory_space<vmem>>, vector<16xf32>,
        %max3A_449 = arith.maximumf %max3A_407, %get3A_448 : vector<16xf32>
        scf.yield %max3A_413, %max3A_417, %max3A_421, %max3A_425, %max3A_431, %max3A_437, %max3A_443, %max3A_449 : vector<16xf32>, vector<16xf32>, vector<16xf32>, vector<16xf32>, vector<16xf32>, vector<16xf32>, vector<16xf32>, vector<16xf32>
      }
      %scan3A_270 = arith.constant 200 : i32
      %broadcast_in_dim3A_271 = arith.constant 0.000000e+00 : f32
      %broadcast_in_dim3A_272 = vector.broadcast %broadcast_in_dim3A_271 : f32 to vector<16xf32>
      %get3A_273 = arith.constant 0 : index
      %get3A_274 = tpu.vector_load %arg9[%get3A_273] {strides = array<i32>} : memref<144xf32, #tpu.memory_space<vmem>>, vector<16xf32>,
      %mul3A_275 = arith.mulf %scan3A_269#0, %get3A_274 : vector<16xf32>
      %add3A_276 = arith.addf %broadcast_in_dim3A_272, %mul3A_275 : vector<16xf32>
      %get3A_277 = arith.constant 16 : index
      %get3A_278 = tpu.vector_load %arg9[%get3A_277] {strides = array<i32>} : memref<144xf32, #tpu.memory_space<vmem>>, vector<16xf32>,
      %mul3A_279 = arith.mulf %scan3A_269#1, %get3A_278 : vector<16xf32>
      %add3A_280 = arith.addf %add3A_276, %mul3A_279 : vector<16xf32>
      %get3A_281 = arith.constant 32 : index
      %get3A_282 = tpu.vector_load %arg9[%get3A_281] {strides = array<i32>} : memref<144xf32, #tpu.memory_space<vmem>>, vector<16xf32>,
      %mul3A_283 = arith.mulf %scan3A_269#2, %get3A_282 : vector<16xf32>
      %add3A_284 = arith.addf %add3A_280, %mul3A_283 : vector<16xf32>
      %get3A_285 = arith.constant 48 : index
      %get3A_286 = tpu.vector_load %arg9[%get3A_285] {strides = array<i32>} : memref<144xf32, #tpu.memory_space<vmem>>, vector<16xf32>,
      %mul3A_287 = arith.mulf %scan3A_269#3, %get3A_286 : vector<16xf32>
      %add3A_288 = arith.addf %add3A_284, %mul3A_287 : vector<16xf32>
      %get3A_289 = arith.constant 64 : index
      %get3A_290 = tpu.vector_load %arg9[%get3A_289] {strides = array<i32>} : memref<144xf32, #tpu.memory_space<vmem>>, vector<16xf32>,
      %mul3A_291 = arith.mulf %scan3A_269#4, %get3A_290 : vector<16xf32>
      %add3A_292 = arith.addf %add3A_288, %mul3A_291 : vector<16xf32>
      %get3A_293 = arith.constant 80 : index
      %get3A_294 = tpu.vector_load %arg9[%get3A_293] {strides = array<i32>} : memref<144xf32, #tpu.memory_space<vmem>>, vector<16xf32>,
      %mul3A_295 = arith.mulf %scan3A_269#5, %get3A_294 : vector<16xf32>
      %add3A_296 = arith.addf %add3A_292, %mul3A_295 : vector<16xf32>
      %get3A_297 = arith.constant 96 : index
      %get3A_298 = tpu.vector_load %arg9[%get3A_297] {strides = array<i32>} : memref<144xf32, #tpu.memory_space<vmem>>, vector<16xf32>,
      %mul3A_299 = arith.mulf %scan3A_269#6, %get3A_298 : vector<16xf32>
      %add3A_300 = arith.addf %add3A_296, %mul3A_299 : vector<16xf32>
      %get3A_301 = arith.constant 112 : index
      %get3A_302 = tpu.vector_load %arg9[%get3A_301] {strides = array<i32>} : memref<144xf32, #tpu.memory_space<vmem>>, vector<16xf32>,
      %mul3A_303 = arith.mulf %scan3A_269#7, %get3A_302 : vector<16xf32>
      %add3A_304 = arith.addf %add3A_300, %mul3A_303 : vector<16xf32>
      %xor3A_305 = arith.constant 8 : i32
      %xor3A_306 = vector.broadcast %xor3A_305 : i32 to vector<16xi32>
      %xor3A_307 = arith.xori %iota3A, %xor3A_306 : vector<16xi32>
      %reshape3A_308 = vector.shape_cast %xor3A_307 : vector<16xi32> to vector<16x1xi32>
      %gather3A_309 = vector.shape_cast %reshape3A_308 : vector<16x1xi32> to vector<16xi32>
      %gather3A_310 = tpu.dynamic_gather %add3A_304[%gather3A_309] in [0] : vector<16xf32>, vector<16xi32> -> vector<16xf32>
      %add3A_311 = arith.addf %add3A_304, %gather3A_310 : vector<16xf32>
      %xor3A_312 = arith.constant 4 : i32
      %xor3A_313 = vector.broadcast %xor3A_312 : i32 to vector<16xi32>
      %xor3A_314 = arith.xori %iota3A, %xor3A_313 : vector<16xi32>
      %reshape3A_315 = vector.shape_cast %xor3A_314 : vector<16xi32> to vector<16x1xi32>
      %gather3A_316 = vector.shape_cast %reshape3A_315 : vector<16x1xi32> to vector<16xi32>
      %gather3A_317 = tpu.dynamic_gather %add3A_311[%gather3A_316] in [0] : vector<16xf32>, vector<16xi32> -> vector<16xf32>
      %add3A_318 = arith.addf %add3A_311, %gather3A_317 : vector<16xf32>
      %xor3A_319 = arith.constant 2 : i32
      %xor3A_320 = vector.broadcast %xor3A_319 : i32 to vector<16xi32>
      %xor3A_321 = arith.xori %iota3A, %xor3A_320 : vector<16xi32>
      %reshape3A_322 = vector.shape_cast %xor3A_321 : vector<16xi32> to vector<16x1xi32>
      %gather3A_323 = vector.shape_cast %reshape3A_322 : vector<16x1xi32> to vector<16xi32>
      %gather3A_324 = tpu.dynamic_gather %add3A_318[%gather3A_323] in [0] : vector<16xf32>, vector<16xi32> -> vector<16xf32>
      %add3A_325 = arith.addf %add3A_318, %gather3A_324 : vector<16xf32>
      %xor3A_326 = arith.constant 1 : i32
      %xor3A_327 = vector.broadcast %xor3A_326 : i32 to vector<16xi32>
      %xor3A_328 = arith.xori %iota3A, %xor3A_327 : vector<16xi32>
      %reshape3A_329 = vector.shape_cast %xor3A_328 : vector<16xi32> to vector<16x1xi32>
      %gather3A_330 = vector.shape_cast %reshape3A_329 : vector<16x1xi32> to vector<16xi32>
      %gather3A_331 = tpu.dynamic_gather %add3A_325[%gather3A_330] in [0] : vector<16xf32>, vector<16xi32> -> vector<16xf32>
      %add3A_332 = arith.addf %add3A_325, %gather3A_331 : vector<16xf32>
      %get3A_333 = arith.constant 128 : index
      %get3A_334 = tpu.vector_load %arg9[%get3A_333] {strides = array<i32>} : memref<144xf32, #tpu.memory_space<vmem>>, vector<16xf32>,
      %add3A_335 = arith.addf %get3A_334, %add3A_332 : vector<16xf32>
      %neg3A_336 = arith.constant 0.000000e+00 : f32
      %neg3A_337 = vector.broadcast %neg3A_336 : f32 to vector<16xf32>
      %neg3A_338 = arith.subf %neg3A_337, %add3A_335 : vector<16xf32>
      %exp3A_339 = math.exp %neg3A_338 : vector<16xf32>
      %add3A_340 = arith.constant 1.000000e+00 : f32
      %add3A_341 = vector.broadcast %add3A_340 : f32 to vector<16xf32>
      %add3A_342 = arith.addf %add3A_341, %exp3A_339 : vector<16xf32>
      %div3A_343 = arith.constant 1.000000e+00 : f32
      %div3A_344 = vector.broadcast %div3A_343 : f32 to vector<16xf32>
      %div3A_345 = arith.divf %div3A_344, %add3A_342 : vector<16xf32>
      %add3A_346 = arith.constant 1 : i32
      %add3A_347 = arith.addi %mul3A_58, %add3A_346 : i32
      %and3A_348 = arith.constant 15 : i32
      %and3A_349 = arith.andi %add3A_347, %and3A_348 : i32
      %eq3A_350 = vector.broadcast %and3A_349 : i32 to vector<16xi32>
      %eq3A_351 = arith.cmpi eq, %iota3A, %eq3A_350 : vector<16xi32>
      %select_n3A_352 = arith.select %eq3A_351, %div3A_345, %select_n3A : vector<16xi1>, vector<16xf32>
      %add3A_353 = arith.constant 1 : i32
      %add3A_354 = arith.addi %mul3A_58, %add3A_353 : i32
      %and3A_355 = arith.constant 15 : i32
      %and3A_356 = arith.andi %add3A_354, %and3A_355 : i32
      %eq3A_357 = arith.constant 15 : i32
      %eq3A_358 = arith.cmpi eq, %and3A_356, %eq3A_357 : i32
      %convert_element_type3A = arith.extui %eq3A_358 : i1 to i32
      %cond3A = arith.constant 0 : i32
      %cond3A_359 = arith.cmpi ne, %convert_element_type3A, %cond3A : i32
      scf.if %cond3A_359 {
        %sub3A = arith.constant 14 : i32
        %sub3A_360 = arith.subi %mul3A_58, %sub3A : i32
        %swap3A = arith.index_cast %sub3A_360 : i32 to index
        %swap3A_361 = tpu.vector_load %arg10[%swap3A] {strides = array<i32>} : memref<128xf32, #tpu.memory_space<vmem>>, vector<16xf32>,
        tpu.vector_store %arg10[%swap3A], %select_n3A_352 {strides = array<i32>} : memref<128xf32, #tpu.memory_space<vmem>>, vector<16xf32>,
      } else {
      }
      scf.yield %select_n3A_352 : vector<16xf32>
    }
    %scan3A_47 = arith.constant 64 : i32
    %dma_wait3A = arith.constant 0 : i32
    %dma_wait3A_48 = arith.constant 0 : i32
    %dma_wait3A_49 = tpu.memref_slice %arg3[%dma_wait3A, %dma_wait3A_48] : memref<1000000x64xf32, #tpu.memory_space<hbm>> -> memref<400x64xf32, #tpu.memory_space<hbm>>
    %dma_wait3A_50 = arith.constant 0 : i32
    %dma_wait3A_51 = arith.constant 0 : i32
    %dma_wait3A_52 = tpu.memref_slice %arg3[%dma_wait3A_50, %dma_wait3A_51] : memref<1000000x64xf32, #tpu.memory_space<hbm>> -> memref<400x64xf32, #tpu.memory_space<hbm>>
    tpu.wait_dma2 semaphore(%arg11 : memref<!tpu.dma_semaphore, #tpu.memory_space<semaphore_mem>>) src(%dma_wait3A_52 : memref<400x64xf32, #tpu.memory_space<hbm>>) dst(%arg7 : memref<400x64xf32, #tpu.memory_space<vmem>>)
    %mul3A_53 = arith.constant 128 : i32
    %mul3A_54 = arith.muli %add3A, %mul3A_53 : i32
    "tpu.region"() ({
      %run_scoped3A = tpu.sem_alloc : memref<!tpu.dma_semaphore, #tpu.memory_space<semaphore_mem>>
      %dma_start3A_55 = tpu.memref_slice %arg5[%mul3A_54] : memref<4096xf32, #tpu.memory_space<hbm>> -> memref<128xf32, #tpu.memory_space<hbm>>
      %dma_start3A_56 = tpu.memref_slice %arg5[%mul3A_54] : memref<4096xf32, #tpu.memory_space<hbm>> -> memref<128xf32, #tpu.memory_space<hbm>>
      tpu.enqueue_dma source(%arg10 : memref<128xf32, #tpu.memory_space<vmem>>) target(%dma_start3A_56 : memref<128xf32, #tpu.memory_space<hbm>>) target_semaphore(%run_scoped3A : memref<!tpu.dma_semaphore, #tpu.memory_space<semaphore_mem>>)
      %dma_wait3A_57 = tpu.memref_slice %arg5[%mul3A_54] : memref<4096xf32, #tpu.memory_space<hbm>> -> memref<128xf32, #tpu.memory_space<hbm>>
      %dma_wait3A_58 = tpu.memref_slice %arg5[%mul3A_54] : memref<4096xf32, #tpu.memory_space<hbm>> -> memref<128xf32, #tpu.memory_space<hbm>>
      tpu.wait_dma2 semaphore(%run_scoped3A : memref<!tpu.dma_semaphore, #tpu.memory_space<semaphore_mem>>) src(%arg10 : memref<128xf32, #tpu.memory_space<vmem>>) dst(%dma_wait3A_58 : memref<128xf32, #tpu.memory_space<hbm>>)
      tpu.yield
    }) : () -> ()
    return
  }
}

</mosaic_0001>

<sc_bundles>
// kernel: kernel.3.cloned.1.call-start
scs
__scs_entry_jumppad:
0x0: {  	(pc) =	sbr.rel $0x88, $3  }
0x1: {  	(tag) =	ssettag $0x0;
	lr =	simm.s32 $0x1  }
0x2: {  	[smem:$0x3F9C] =	sst lr;
	_ =	strace $0xD0000000  }
0x3: {  	_ = 	snop  }
0x4: {  	_ = 	snop  }
0x5: {  	_ = 	snop  }
0x6: {  	_ = 	snop  }
0x7: {  	_ = 	snop  }
__scs_overlays_trampoline_lowered:
0x8: {  	[smem:$0x3FAB] =	sst s0  }
0x9: {  	[smem:$0x3FAC] =	sst s1  }
0xa: {  	[smem:$0x3FAD] =	sst s2  }
0xb: {  	[smem:$0x3FAE] =	sst s3  }
0xc: {  	[smem:$0x3FAF] =	sst s4  }
0xd: {  	[smem:$0x3FB0] =	sst s5  }
0xe: {  	[smem:$0x3FB1] =	sst s6  }
0xf: {  	[smem:$0x3FB2] =	sst s7  }
0x10: {  	[smem:$0x3FB3] =	sst s8  }
0x11: {  	[smem:$0x3FB4] =	sst s9;
	s0 =	simm.s32 @!p0 $0x0  }
0x12: {  	s1 =	sld [smem:$0x3F9A];
	s0 =	simm.s32 @p0 $0x1  }
0x13: {  	[smem:$0x3FB5] =	sst s0;
	s0 =	simm.s32 @!p1 $0x0  }
0x14: {  	s2 =	sld [smem:$0x3F99];
	s0 =	simm.s32 @p1 $0x1  }
0x15: {  	[smem:$0x3FB6] =	sst s0;
	s0 =	simm.s32 @!p2 $0x0  }
0x16: {  	s3 =	sld [smem:$0x3FDB];
	s0 =	simm.s32 @p2 $0x1  }
0x17: {  	s4 =	simm.s32 $0x1BF5;
	[smem:$0x3FB8] =	sst s0  }
0x18: {  	s0 =	sld [smem:$0x3F9B];
	_ =	swait.ge [sflag:s4], $0x0  }
0x19: {  	s7 =	sld [smem:$0x3F9C]  }
0x1a: {  	s8 =	sadd.s32 $0xFFFFE003, lr  }
0x1b: {  	s9 =	sadd.s32 $0xFFFFFEF7, lr;
	s5 =	simm.s32 $0xFFFFFFFF;
	p2 =	slt.u32 s8, $0xFFFFF086  }
0x1c: {  	p1 =	slt.u32 s9, $0xF7A;
	s5 =	simm.s32 @!p2 $0x0  }
0x1d: {  	s5 =	simm.s32 @p1 $0x1;
	p0 =	seq.s32 s7, s2  }
0x1e: {  	s7 =	smul.u32 @!p0 $0xF7A, s2;
	p2 =	seq.s32 @!p0 s5, $0x0  }
0x1f: {  	s9 =	smul.u32 $0xF7A, s1;
	s8 =	simm.s32 @!p0 $0x1BF5;
	p2 =	por !p2, p0  }
0x20: {  	[sflag:s8] =	ssyncset.s32 @!p0 $0xFFFFF086;
	s6 =	sadd.s32 @!p0 s3, s7;
	s7 =	simm.s32 @!p0 $0x108  }
0x21: {  	s3 =	sadd.s32 s3, s9;
	s6 =	sadd.s32 @!p0 $0x88, s6;
	s7 =	simm.s32 @p2 $0x1082  }
0x22: {  	[simem:s7], [sflag:s8] =	dma.local @!p0 [hbm:s6], $0xF7A  }
0x23: {  	s9 =	sor.u32 $0xD0000000, s2;
	s6 =	simm.s32 $0x108;
	_ =	swait.ge @!p0 [sflag:s8], $0x0  }
0x24: {  	s3 =	sadd.s32 $0x88, s3;
	s6 =	simm.s32 @!p1 $0x1082;
	[sflag:s4] =	ssyncset.s32 $0xFFFFF086  }
0x25: {  	[simem:s6], [sflag:s4] =	dma.local [hbm:s3], $0xF7A  }
0x26: {  	[smem:$0x3F9C] =	sst s1;
	(tag) =	ssettag s2;
	_ =	strace s9  }
0x27: {  	s1 =	sld [smem:$0x3FAC]  }
0x28: {  	s2 =	sld [smem:$0x3FAD]  }
0x29: {  	s4 =	sld [smem:$0x3FAF]  }
0x2a: {  	p0 =	seq.s32 s5, $0x0;
	s5 =	sld [smem:$0x3FB0]  }
0x2b: {  	s6 =	sld [smem:$0x3FB1]  }
0x2c: {  	s7 =	sld [smem:$0x3FB2]  }
0x2d: {  	s3 =	simm.s32 $0x108;
	s8 =	sld [smem:$0x3FB3]  }
0x2e: {  	s3 =	simm.s32 @!p0 $0x1082;
	s9 =	sld [smem:$0x3FB4]  }
0x2f: {  	lr =	sadd.s32 s0, s3;
	s0 =	sld [smem:$0x3FAB]  }
0x30: {  	s3 =	sld [smem:$0x3FAE]  }
0x31: {  	[smem:$0x3FB7] =	sst s10  }
0x32: {  	s10 =	sld [smem:$0x3FB5];
	_ =	sdelay $0x3  }
0x33: {  	p0 =	seq.s32 s10, $0x1;
	s10 =	sld [smem:$0x3FB7];
	_ =	sdelay $0x3  }
0x34: {  	[smem:$0x3FB7] =	sst s10  }
0x35: {  	s10 =	sld [smem:$0x3FB6];
	_ =	sdelay $0x3  }
0x36: {  	p1 =	seq.s32 s10, $0x1;
	s10 =	sld [smem:$0x3FB7];
	_ =	sdelay $0x3  }
0x37: {  	[smem:$0x3FB7] =	sst s10  }
0x38: {  	s10 =	sld [smem:$0x3FB8]  }
0x39: {  	_ = 	snop;
	(pc) =	sbr.ind lr, $3  }
0x3a: {  	_ = 	snop  }
0x3b: {  	_ = 	snop  }
0x3c: {  	p2 =	seq.s32 s10, $0x1;
	s10 =	sld [smem:$0x3FB7]  }
0x3d: {  	_ =	shalt  }
0x3e: {  	_ =	shalt  }
0x3f: {  	_ =	shalt  }
0x40: {  	_ =	shalt  }
0x41: {  	_ =	shalt  }
0x42: {  	_ =	shalt  }
0x43: {  	_ =	shalt  }
0x44: {  	_ =	shalt  }
0x45: {  	_ =	shalt  }
0x46: {  	_ =	shalt  }
0x47: {  	_ =	shalt  }
0x48: {  	_ =	shalt  }
0x49: {  	_ =	shalt  }
0x4a: {  	_ =	shalt  }
0x4b: {  	_ =	shalt  }
0x4c: {  	_ =	shalt  }
0x4d: {  	_ =	shalt  }
0x4e: {  	_ =	shalt  }
0x4f: {  	_ =	shalt  }
0x50: {  	_ =	shalt  }
0x51: {  	_ =	shalt  }
0x52: {  	_ =	shalt  }
0x53: {  	_ =	shalt  }
0x54: {  	_ =	shalt  }
0x55: {  	_ =	shalt  }
0x56: {  	_ =	shalt  }
0x57: {  	_ =	shalt  }
0x58: {  	_ =	shalt  }
0x59: {  	_ =	shalt  }
0x5a: {  	_ =	shalt  }
0x5b: {  	_ =	shalt  }
0x5c: {  	_ =	shalt  }
0x5d: {  	_ =	shalt  }
0x5e: {  	_ =	shalt  }
0x5f: {  	_ =	shalt  }
0x60: {  	_ =	shalt  }
0x61: {  	_ =	shalt  }
0x62: {  	_ =	shalt  }
0x63: {  	_ =	shalt  }
0x64: {  	_ =	shalt  }
0x65: {  	_ =	shalt  }
0x66: {  	_ =	shalt  }
0x67: {  	_ =	shalt  }
0x68: {  	_ =	shalt  }
0x69: {  	_ =	shalt  }
0x6a: {  	_ =	shalt  }
0x6b: {  	_ =	shalt  }
0x6c: {  	_ =	shalt  }
0x6d: {  	_ =	shalt  }
0x6e: {  	_ =	shalt  }
0x6f: {  	_ =	shalt  }
0x70: {  	_ =	shalt  }
0x71: {  	_ =	shalt  }
0x72: {  	_ =	shalt  }
0x73: {  	_ =	shalt  }
0x74: {  	_ =	shalt  }
0x75: {  	_ =	shalt  }
0x76: {  	_ =	shalt  }
0x77: {  	_ =	shalt  }
0x78: {  	_ =	shalt  }
0x79: {  	_ =	shalt  }
0x7a: {  	_ =	shalt  }
0x7b: {  	_ =	shalt  }
0x7c: {  	_ =	shalt  }
0x7d: {  	_ =	shalt  }
0x7e: {  	_ =	shalt  }
0x7f: {  	_ =	shalt  }
0x80: {  	_ =	shalt  }
0x81: {  	_ =	shalt  }
0x82: {  	_ =	shalt  }
0x83: {  	_ =	shalt  }
0x84: {  	_ =	shalt  }
0x85: {  	_ =	shalt  }
0x86: {  	_ =	shalt  }
0x87: {  	_ =	shalt  }
.Lfunc_end0:
.L_simem_size_0:
called_computation_lowered:
.L_overlay_start_0:
0x88: {  	s2 =	sld [smem:$0x3FD9]  }
0x89: {  	s3 =	sld [smem:$0x3FFE];
	_ =	sdelay $0x1  }
0x8a: {  	s1 =	srdreg.scid  }
0x8b: {  	s0 =	sand.u32 $0x1, s1  }
0x8c: {  	s17 =	sshll.u32 s0, $0xA;
	s2 =	sadd.s32 s3, s2  }
0x8d: {  	s2 =	sadd.s32 s2, s17  }
0x8e: {  	[smem:$0x3FC3] =	sst s2  }
0x8f: {  	_ = 	snop  }
0x90: {  	s2 =	sld [smem:$0x3FD0];
	(tm) =	ssettm $0x1  }
0x91: {  	s18 =	sld [smem:$0x3FFB];
	_ =	sdelay $0x3  }
0x92: {  	_ =	strace s18  }
0x93: {  	s3 =	sld [smem:$0x3FFC];
	_ =	sdelay $0x3  }
0x94: {  	_ =	strace s3  }
0x95: {  	s3 =	sld [smem:$0x3FFD];
	_ =	sdelay $0x3  }
0x96: {  	_ =	strace s3  }
0x97: {  	_ =	strace $0x8FFFFFFF  }
0x98: {  	s19 =	sld [smem:$0x3FDB];
	_ =	sdelay $0x1  }
0x99: {  	s4 =	simm.s32 $_scs_section_size  }
0x9a: {  	s5 =	simm.s32 $_size__tile_overlayer_lowered;
	s6 =	simm.s32 $_tile_overlayer_lowered  }
0x9b: {  	s22 =	simm.s32 $0x1BFF;
	s21 =	sshll.u32 s6, $0x1;
	s3 =	sadd.s32 s4, s19  }
0x9c: {  	s7 =	simm.s32 $0x0;
	s20 =	sshll.u32 s5, $0x1;
	s5 =	sadd.s32 s21, s3  }
0x9d: {  	[timem:s7], [sflag:s22] =	dma.local [hbm:s5], s20  }
0x9e: {  	_ =	swait.ge [sflag:s22], s20  }
0x9f: {  	s4 =	ssub.s32 $0x0, s20;
	[sflag:s22] =	ssyncset.done $0x0  }
0xa0: {  	[sflag:s22] =	ssyncadd.s32 s4;
	_ =	sdelay $0x1  }
0xa1: {  	s23 =	simm.s32 $0x1B8B  }
0xa2: {  	_ =	swait.ge [sflag:s23], $0x1  }
0xa3: {  	[sflag:s23] =	ssyncset.done $0x0  }
0xa4: {  	s25 =	simm.s32 $0x1B8E;
	s24 =	sld [smem:$0x3FFE];
	[sflag:s23] =	ssyncadd.s32 $0xFFFFFFFF  }
0xa5: {  	s26 =	simm.s32 $execute0_lowered;
	[smem:$0x3FD2] =	sst s25  }
0xa6: {  	s5 =	sshll.u32 s26, $0x1;
	_ =	strace $0x80000046;
	[dreg:$0x1] =	wrdreg $0xFFFFFFFF  }
0xa7: {  	s28 =	simm.s32 $_size_execute0_lowered;
	s3 =	sadd.s32 s3, s5;
	[dreg:$0x0] =	wrdreg $0x0  }
0xa8: {  	s5 =	sshll.u32 s28, $0x1;
	[dreg:$0x2] =	wrdreg s3  }
0xa9: {  	[dreg:$0x3] =	wrdreg s5  }
0xaa: {  	[dreg:$0x4] =	wrdreg $0xC0  }
0xab: {  	_ =	task [dreg:s7], $0x5FFFF  }
0xac: {  	[dreg:$0x1] =	wrdreg $0xFFFFFFFF  }
0xad: {  	[dreg:$0x0] =	wrdreg $0x60  }
0xae: {  	[dreg:$0x2] =	wrdreg s24  }
0xaf: {  	[dreg:$0x3] =	wrdreg s2  }
0xb0: {  	[dreg:$0x4] =	wrdreg $0x9  }
0xb1: {  	_ =	task.clear_ibuf [dreg:s7], $0x5FFFF;
	_ =	strace $0x90000046  }
0xb2: {  	s29 =	simm.s32 $0x9;
	_ =	strace $0x80000048  }
0xb3: {  	_ =	swait.ge [sflag:s29], $0x1  }
0xb4: {  	[sflag:s29] =	ssyncadd.s32 $0xFFFFFFFF  }
0xb5: {  	_ =	strace $0x90000048  }
0xb6: {  	_ =	sfence  }
0xb7: {  	s30 =	sld [smem:$0x0];
	_ =	sdelay $0x2  }
0xb8: {  	s31 =	sshll.u32 s1, $0xD;
	s1 =	sshrl.u32 s1, $0x2  }
0xb9: {  	s3 =	sand.u32 $0x4000, s31;
	s1 =	sadd.s32 s1, s30  }
0xba: {  	s0 =	sor.u32 s3, s0;
	s1 =	sshll.u32 s1, $0x11  }
0xbb: {  	s0 =	sor.u32 s1, s0  }
0xbc: {  	s0 =	sadd.s32 $0x8F2B, s0  }
0xbd: {  	[sflag:s0] =	ssyncadd.remote.s32 $0x1  }
0xbe: {  	_ =	sfence.sel $0xFFFF  }
0xbf: {  	[dreg:$0x0] =	wrdreg $0xFFFFFFFF;
	(pc) =	sbr.abs _section_cstart, $3  }
0xc0: {  	[dreg:$0x1] =	wrdreg $0xFFFFFFFF  }
0xc1: {  	_ =	task.clear_ibuf [dreg:s7], $0x2FFFF;
	_ =	strace $0x9FFFFFFF  }
0xc2: {  	(tm) =	ssettm $0x7FFFFFFF  }
0xc3: {  	_ =	shalt  }
tec
execute0_lowered:
.L_overlay_start_1:
0x0: {  	(tag) =	ssettag $0x1  }
0x1: {  	s4 =	rddreg [dreg:$0x0];
	s1 =	srdreg.scid  }
0x2: {  	s0 =	stileid.u32;
	s8 =	rddreg [dreg:$0x1];
	v0 =	vimm.s32 $0xFEDCBA98;
	v1 =	vimm.s32 $0x76543210  }
0x3: {  	s2 =	simm.s32 $0x0;
	v2 =	vimm.s32 $0xBA98FEDC;
	v3 =	vimm.s32 $0x32107654;
	s11 =	simm.s32 $0xD000;
	s12 =	simm.s32 $0x68  }
0x4: {  	v4 =	vimm.s32 $0xDCFE98BA;
	s13 =	simm.s32 $0xE900;
	s14 =	simm.s32 $0xD0;
	s15 =	simm.s32 $0x10200  }
0x5: {  	v5 =	vimm.s32 $0x54761032;
	s16 =	simm.s32 $0x138;
	s17 =	simm.s32 $0x11B00;
	s18 =	simm.s32 $0x13400  }
0x6: {  	v6 =	vimm.s32 $0xEFCDAB89;
	s19 =	simm.s32 $0x14D00;
	s20 =	simm.s32 $0x16600;
	s21 =	simm.s32 $0x17F00  }
0x7: {  	v7 =	vimm.s32 $0x67452301;
	s22 =	simm.s32 $0x1;
	s23 =	simm.s32 $0x2;
	s24 =	simm.s32 $0x19890;
	v0 =	vunpack.c.l.s4.s8 v0;
	v1 =	vunpack.c.l.s4.s8 v1  }
0x8: {  	s5 =	sand.u32 $0x1, s1;
	s3 =	sshll.u32 s0, $0x1;
	s1 =	rddreg [dreg:$0x2];
	v2 =	vunpack.c.l.s4.s8 v2;
	v3 =	vunpack.c.l.s4.s8 v3;
	v4 =	vunpack.c.l.s4.s8 v4  }
0x9: {  	s25 =	simm.s32 $0x0;
	[smem:$0x7FF] =	sst s2;
	v5 =	vunpack.c.l.s4.s8 v5;
	v6 =	vunpack.c.l.s4.s8 v6;
	v7 =	vunpack.c.l.s4.s8 v7;
	s6 =	sor.u32 s5, s3  }
0xa: {  	_ =	strace $0x80000047;
	s9 =	ssub.s32 $0x2, s5;
	s3 =	smul.u32 $0x1A00, s6;
	v0 =	vunpack.c.0.s8.s32 v0;
	v1 =	vunpack.c.0.s8.s32 v1;
	v2 =	vunpack.c.0.s8.s32 v2  }
0xb: {  	s10 =	sshrl.u32 s9, $0x1;
	s31 =	sshll.u32 s6, $0x4;
	s6 =	simm.s32 $0x19800;
	v3 =	vunpack.c.0.s8.s32 v3;
	v4 =	vunpack.c.0.s8.s32 v4;
	v5 =	vunpack.c.0.s8.s32 v5  }
0xc: {  	v6 =	vunpack.c.0.s8.s32 v6;
	v7 =	vunpack.c.0.s8.s32 v7;
	s9 =	ssub.s32 s9, s10;
	s8 =	sadd.s32 s8, s31;
	s10 =	simm.s32 $0x3;
	v0 =	vand.u32 $0xF, v0  }
0xd: {  	s7 =	sadd.s32 s3, s4;
	s3 =	sadd.s32 $0xF42E00, s4;
	s4 =	sadd.s32 $0x34A00, s4;
	v0 =	vcombine.low v0, v1;
	v1 =	vcombine.low v3, v2  }
0xe: {  	s9 =	smax.u32 s9, $0x1;
	s5 =	sadd.s32 $0xA00, s7;
	s7 =	simm.s32 $0x64;
	v2 =	vcombine.low v5, v4;
	v3 =	vcombine.low v7, v6;
	v4 =	vlaneseq.u32  }
.LBB2_1:
0xf: {  	[tilespmem:s2], [sflag:$0x3] =	stream.linear.gather [hbm4b:s5+s2], $0xD000, $0x38;
	[tilespmem:$0x19910] =	vst v63  }
0x10: {  	_ =	swait.ge [sflag:s10], $0xD000  }
0x11: {  	[sflag:s10] =	ssyncset.done $0x0  }
0x12: {  	[sflag:s10] =	ssyncadd.s32 $0xFFFF3000  }
0x13: {  	[tilespmem:s6], [sflag:$0x3] =	stream.linear.gather [hbm4b:s4+s2], $0x90, $0x38;
	[tilespmem:$0x19910] =	vst v63  }
0x14: {  	_ =	swait.ge [sflag:s10], $0x90  }
0x15: {  	[sflag:s10] =	ssyncset.done $0x0  }
0x16: {  	[sflag:s10] =	ssyncadd.s32 $0xFFFFFF70  }
0x17: {  	[tilespmem:s11], [sflag:$0x1] =	stream.indirect.gather [hbm4b:s3+s7], $0x40, s2, s7, $0xb8;
	[tilespmem:$0x19910] =	vst v63  }
0x18: {  	_ = 	snop  }
0x19: {  	[tilespmem:s13], [sflag:$0x1] =	stream.indirect.gather [hbm4b:s3+s7], $0x40, s12, s7, $0xb8;
	[tilespmem:$0x19910] =	vst v63  }
0x1a: {  	_ = 	snop  }
0x1b: {  	[tilespmem:s15], [sflag:$0x1] =	stream.indirect.gather [hbm4b:s3+s7], $0x40, s14, s7, $0xb8;
	[tilespmem:$0x19910] =	vst v63  }
0x1c: {  	s26 =	simm.s32 $0x0  }
0x1d: {  	v5 =	vimm.f32 $0.0e+00;
	[tilespmem:s17], [sflag:$0x1] =	stream.indirect.gather [hbm4b:s3+s7], $0x40, s16, s7, $0xb8;
	[tilespmem:$0x19910] =	vst v63  }
.LBB2_2:
0x1e: {  	s28 =	sshllo.u32 s26, $0x1  }
0x1f: {  	s29 =	smul.u32 $0x680, s28;
	_ =	sdelay $0x1  }
0x20: {  	s29 =	sshra.s32 s29, $0x2  }
0x21: {  	[tilespmem:s18], [sflag:$0x2] =	stream.indirect.gather [hbm4b:s3+s7], $0x40, s29, s7, $0xb8;
	[tilespmem:$0x19910] =	vst v63  }
0x22: {  	s30 =	sadd.s32 $0x68, s29  }
0x23: {  	[tilespmem:s19], [sflag:$0x2] =	stream.indirect.gather [hbm4b:s3+s7], $0x40, s30, s7, $0xb8;
	[tilespmem:$0x19910] =	vst v63  }
0x24: {  	s30 =	sadd.s32 $0xD0, s29  }
0x25: {  	[tilespmem:s20], [sflag:$0x2] =	stream.indirect.gather [hbm4b:s3+s7], $0x40, s30, s7, $0xb8;
	[tilespmem:$0x19910] =	vst v63  }
0x26: {  	s29 =	sadd.s32 $0x138, s29  }
0x27: {  	[tilespmem:s21], [sflag:$0x2] =	stream.indirect.gather [hbm4b:s3+s7], $0x40, s29, s7, $0xb8;
	[tilespmem:$0x19910] =	vst v63  }
0x28: {  	_ =	swait.ge [sflag:s22], $0x6400  }
0x29: {  	[sflag:s22] =	ssyncset.done $0x0  }
0x2a: {  	s31 =	simm.s32 $0x10270;
	[sflag:s22] =	ssyncadd.s32 $0xFFFF9C00  }
0x2b: {  	v14 =	vld [tilespmem:s31+$0xFFFFCDD0]  }
0x2c: {  	v13 =	vld [tilespmem:s31+$0xFFFFCDE0]  }
0x2d: {  	v11 =	vld [tilespmem:s31+$0xFFFFCDF0]  }
0x2e: {  	v6 =	vld [tilespmem:s31+$0xFFFFCE00]  }
0x2f: {  	v9 =	vld [tilespmem:s31+$0xFFFFFFD0]  }
0x30: {  	v8 =	vld [tilespmem:s31+$0xFFFFFFE0]  }
0x31: {  	v7 =	vld [tilespmem:s31+$0xFFFFFFF0]  }
0x32: {  	v10 =	vld [tilespmem:s31+$0xFFFFCD90]  }
0x33: {  	v12 =	vld [tilespmem:s31+$0xFFFFCDA0]  }
0x34: {  	v25 =	vld [tilespmem:s31+$0xFFFFCDB0]  }
0x35: {  	v24 =	vld [tilespmem:s31+$0xFFFFCDC0]  }
0x36: {  	v23 =	vld [tilespmem:s31+$0xFFFFFF90]  }
0x37: {  	v20 =	vld [tilespmem:s31+$0xFFFFFFA0]  }
0x38: {  	v22 =	vimm.f32 $-Inf;
	v21 =	vimm.f32 $-Inf;
	v19 =	vld [tilespmem:s31+$0xFFFFFFB0]  }
0x39: {  	v17 =	vimm.f32 $-Inf;
	v15 =	vimm.f32 $-Inf;
	v16 =	vld [tilespmem:s31+$0xFFFFFFC0];
	v27 =	vmax.f32 v22, v10  }
0x3a: {  	s30 =	simm.s32 $0x0;
	s29 =	sshll.u32 s26, $0x1;
	v18 =	vld [tilespmem:s31+$0x0];
	s31 =	simm.s32 $0x102F0;
	v26 =	vmax.f32 v22, v12;
	v12 =	vimm.f32 $-Inf;
	v10 =	vimm.f32 $-Inf  }
.LBB2_3:
0x3b: {  	v27 =	vmax.f32 v27, v14;
	v14 =	vld [tilespmem:s31+$0xFFFFCDD0];
	v26 =	vmax.f32 v26, v13  }
0x3c: {  	v22 =	vmax.f32 v22, v25;
	v21 =	vmax.f32 v21, v24;
	v17 =	vmax.f32 v17, v23;
	v13 =	vld [tilespmem:s31+$0xFFFFCDE0]  }
0x3d: {  	v22 =	vmax.f32 v22, v11;
	v21 =	vmax.f32 v21, v6;
	v17 =	vmax.f32 v17, v9;
	v11 =	vld [tilespmem:s31+$0xFFFFCDF0]  }
0x3e: {  	v15 =	vmax.f32 v15, v20;
	v12 =	vmax.f32 v12, v19;
	v6 =	vld [tilespmem:s31+$0xFFFFCE00];
	v10 =	vmax.f32 v10, v16  }
0x3f: {  	v15 =	vmax.f32 v15, v8;
	v12 =	vmax.f32 v12, v7;
	v9 =	vld [tilespmem:s31+$0xFFFFFFD0];
	v10 =	vmax.f32 v10, v18  }
0x40: {  	v8 =	vld [tilespmem:s31+$0xFFFFFFE0]  }
0x41: {  	v7 =	vld [tilespmem:s31+$0xFFFFFFF0]  }
0x42: {  	v18 =	vld [tilespmem:s31+$0xFFFFCD90]  }
0x43: {  	v28 =	vld [tilespmem:s31+$0xFFFFCDA0]  }
0x44: {  	s30 =	sadd.s32 $0x2, s30;
	v25 =	vld [tilespmem:s31+$0xFFFFCDB0]  }
0x45: {  	p0 =	slt.u32 s30, $0xC6;
	v24 =	vld [tilespmem:s31+$0xFFFFCDC0]  }
.Ltmp0:
0x46: {  	v23 =	vld [tilespmem:s31+$0xFFFFFF90];
	(pc) =	sbr.rel @p0 .LBB2_3-.Ltmp0, $4  }
0x47: {  	v20 =	vld [tilespmem:s31+$0xFFFFFFA0]  }
0x48: {  	v19 =	vld [tilespmem:s31+$0xFFFFFFB0]  }
0x49: {  	v16 =	vld [tilespmem:s31+$0xFFFFFFC0]  }
0x4a: {  	v27 =	vmax.f32 v27, v18;
	v26 =	vmax.f32 v26, v28;
	v18 =	vld [tilespmem:s31+$0x0];
	s31 =	sadd.s32 $0x80, s31  }
0x4b: {  	v28 =	vld [tilespmem:$0x19800];
	_ =	sdelay $0x1  }
0x4c: {  	v29 =	vld [tilespmem:$0x19810];
	_ =	sdelay $0x1  }
0x4d: {  	v14 =	vmax.f32 v27, v14;
	v27 =	vld [tilespmem:$0x19820]  }
0x4e: {  	s30 =	sshll.u32 s26, $0x3;
	v14 =	vmul.f32 v28, v14  }
0x4f: {  	v13 =	vmax.f32 v26, v13;
	v26 =	vld [tilespmem:$0x19830];
	s30 =	sadd.s32 $0x8, s30  }
0x50: {  	v22 =	vmax.f32 v22, v25;
	v25 =	vld [tilespmem:$0x19840];
	s30 =	sand.u32 $0x1F8, s30;
	v13 =	vmul.f32 v29, v13;
	v14 =	vadd.f32 $0.0e+00, v14  }
0x51: {  	v21 =	vmax.f32 v21, v24;
	v11 =	vmax.f32 v22, v11;
	v22 =	vld [tilespmem:$0x19850];
	s30 =	smul.u32 $0x1A0, s30  }
0x52: {  	v6 =	vmax.f32 v21, v6;
	v21 =	vld [tilespmem:$0x19870];
	v11 =	vmul.f32 v27, v11;
	v13 =	vadd.f32 v13, v14  }
0x53: {  	s30 =	sshrl.u32 s30, $0x2;
	v14 =	vld [tilespmem:$0x19860]  }
0x54: {  	v11 =	vadd.f32 v11, v13;
	v13 =	vmul.f32 v26, v6;
	v6 =	vld [tilespmem:$0x19880];
	[tilespmem:s11], [sflag:$0x1] =	stream.indirect.gather [hbm4b:s3+s7], $0x40, s30, s7, $0xb8  }
0x55: {  	v17 =	vmax.f32 v17, v23;
	s31 =	sadd.s32 $0x68, s30  }
0x56: {  	v9 =	vmax.f32 v17, v9;
	[tilespmem:s13], [sflag:$0x1] =	stream.indirect.gather [hbm4b:s3+s7], $0x40, s31, s7, $0xb8;
	[tilespmem:$0x19910] =	vst v63  }
0x57: {  	v15 =	vmax.f32 v15, v20;
	v9 =	vmul.f32 v25, v9;
	v11 =	vadd.f32 v13, v11;
	s31 =	sadd.s32 $0xD0, s30  }
0x58: {  	v8 =	vmax.f32 v15, v8;
	[tilespmem:s15], [sflag:$0x1] =	stream.indirect.gather [hbm4b:s3+s7], $0x40, s31, s7, $0xb8;
	[tilespmem:$0x19910] =	vst v63  }
0x59: {  	v12 =	vmax.f32 v12, v19;
	v8 =	vmul.f32 v22, v8;
	s30 =	sadd.s32 $0x138, s30;
	v9 =	vadd.f32 v9, v11  }
0x5a: {  	v7 =	vmax.f32 v12, v7;
	[tilespmem:s17], [sflag:$0x1] =	stream.indirect.gather [hbm4b:s3+s7], $0x40, s30, s7, $0xb8;
	[tilespmem:$0x19910] =	vst v63  }
0x5b: {  	v10 =	vmax.f32 v10, v16;
	v7 =	vmul.f32 v14, v7;
	v8 =	vadd.f32 v8, v9;
	_ =	swait.ge [sflag:s23], $0x6400  }
0x5c: {  	v9 =	vmax.f32 v10, v18;
	[sflag:s23] =	ssyncset.done $0x0  }
0x5d: {  	s31 =	simm.s32 $0x16670;
	v7 =	vadd.f32 v7, v8;
	v8 =	vmul.f32 v21, v9;
	[sflag:s23] =	ssyncadd.s32 $0xFFFF9C00  }
0x5e: {  	v14 =	vld [tilespmem:s31+$0xFFFFCDD0]  }
0x5f: {  	v7 =	vadd.f32 v8, v7;
	v15 =	vld [tilespmem:s31+$0xFFFFCDE0]  }
0x60: {  	v13 =	vld [tilespmem:s31+$0xFFFFCDF0]  }
0x61: {  	v11 =	vld [tilespmem:s31+$0xFFFFCE00];
	v8 =	vperm.xlane v7, v0  }
0x62: {  	v12 =	vld [tilespmem:s31+$0xFFFFFFD0]  }
0x63: {  	v10 =	vld [tilespmem:s31+$0xFFFFFFE0];
	v7 =	vadd.f32 v7, v8  }
0x64: {  	v9 =	vld [tilespmem:s31+$0xFFFFFFF0]  }
0x65: {  	v16 =	vld [tilespmem:s31+$0xFFFFCD90];
	v8 =	vperm.xlane v7, v1  }
0x66: {  	v17 =	vld [tilespmem:s31+$0xFFFFCDA0]  }
0x67: {  	v28 =	vld [tilespmem:s31+$0xFFFFCDB0];
	v7 =	vadd.f32 v7, v8  }
0x68: {  	v27 =	vld [tilespmem:s31+$0xFFFFCDC0]  }
0x69: {  	v26 =	vld [tilespmem:s31+$0xFFFFFF90];
	v8 =	vperm.xlane v7, v2  }
0x6a: {  	v20 =	vimm.f32 $-Inf;
	v25 =	vld [tilespmem:s31+$0xFFFFFFA0]  }
0x6b: {  	v19 =	vimm.f32 $-Inf;
	v22 =	vimm.f32 $-Inf;
	v23 =	vld [tilespmem:s31+$0xFFFFFFB0];
	v7 =	vadd.f32 v7, v8  }
0x6c: {  	v18 =	vimm.f32 $-Inf;
	v21 =	vld [tilespmem:s31+$0xFFFFFFC0];
	v30 =	vmax.f32 v20, v16;
	v29 =	vmax.f32 v20, v17  }
0x6d: {  	s30 =	simm.s32 $0x0;
	v24 =	vld [tilespmem:s31+$0x0];
	s31 =	simm.s32 $0x166F0;
	v17 =	vimm.f32 $-Inf;
	v16 =	vimm.f32 $-Inf;
	v8 =	vperm.xlane v7, v3  }
.LBB2_5:
0x6e: {  	v30 =	vmax.f32 v30, v14;
	v14 =	vld [tilespmem:s31+$0xFFFFCDD0];
	v29 =	vmax.f32 v29, v15  }
0x6f: {  	v20 =	vmax.f32 v20, v28;
	v22 =	vmax.f32 v22, v27;
	v19 =	vmax.f32 v19, v26;
	v15 =	vld [tilespmem:s31+$0xFFFFCDE0]  }
0x70: {  	v20 =	vmax.f32 v20, v13;
	v22 =	vmax.f32 v22, v11;
	v19 =	vmax.f32 v19, v12;
	v13 =	vld [tilespmem:s31+$0xFFFFCDF0]  }
0x71: {  	v18 =	vmax.f32 v18, v25;
	v17 =	vmax.f32 v17, v23;
	v11 =	vld [tilespmem:s31+$0xFFFFCE00];
	v16 =	vmax.f32 v16, v21  }
0x72: {  	v18 =	vmax.f32 v18, v10;
	v17 =	vmax.f32 v17, v9;
	v12 =	vld [tilespmem:s31+$0xFFFFFFD0];
	v16 =	vmax.f32 v16, v24  }
0x73: {  	v10 =	vld [tilespmem:s31+$0xFFFFFFE0]  }
0x74: {  	v9 =	vld [tilespmem:s31+$0xFFFFFFF0]  }
0x75: {  	v24 =	vld [tilespmem:s31+$0xFFFFCD90]  }
0x76: {  	v31 =	vld [tilespmem:s31+$0xFFFFCDA0]  }
0x77: {  	s30 =	sadd.s32 $0x2, s30;
	v28 =	vld [tilespmem:s31+$0xFFFFCDB0]  }
0x78: {  	p0 =	slt.u32 s30, $0xC6;
	v27 =	vld [tilespmem:s31+$0xFFFFCDC0]  }
.Ltmp1:
0x79: {  	v26 =	vld [tilespmem:s31+$0xFFFFFF90];
	(pc) =	sbr.rel @p0 .LBB2_5-.Ltmp1, $4  }
0x7a: {  	v25 =	vld [tilespmem:s31+$0xFFFFFFA0]  }
0x7b: {  	v23 =	vld [tilespmem:s31+$0xFFFFFFB0]  }
0x7c: {  	v21 =	vld [tilespmem:s31+$0xFFFFFFC0]  }
0x7d: {  	v30 =	vmax.f32 v30, v24;
	v29 =	vmax.f32 v29, v31;
	v24 =	vld [tilespmem:s31+$0x0];
	s31 =	sadd.s32 $0x80, s31  }
0x7e: {  	v31 =	vld [tilespmem:$0x19800];
	_ =	sdelay $0x1  }
0x7f: {  	v32 =	vld [tilespmem:$0x19810];
	_ =	sdelay $0x1  }
0x80: {  	v14 =	vmax.f32 v30, v14;
	v54 =	vld [tilespmem:$0x19820]  }
0x81: {  	v14 =	vmul.f32 v31, v14  }
0x82: {  	v15 =	vmax.f32 v29, v15;
	v55 =	vld [tilespmem:$0x19830]  }
0x83: {  	v20 =	vmax.f32 v20, v28;
	v15 =	vmul.f32 v32, v15;
	v14 =	vadd.f32 $0.0e+00, v14  }
0x84: {  	v56 =	vld [tilespmem:$0x19840];
	v13 =	vmax.f32 v20, v13  }
0x85: {  	v22 =	vmax.f32 v22, v27;
	v13 =	vmul.f32 v54, v13;
	v14 =	vadd.f32 v15, v14  }
0x86: {  	v57 =	vld [tilespmem:$0x19850];
	v11 =	vmax.f32 v22, v11  }
0x87: {  	v19 =	vmax.f32 v19, v26;
	v11 =	vmul.f32 v55, v11;
	v13 =	vadd.f32 v13, v14  }
0x88: {  	v58 =	vld [tilespmem:$0x19860];
	v12 =	vmax.f32 v19, v12  }
0x89: {  	v18 =	vmax.f32 v18, v25;
	v12 =	vmul.f32 v56, v12;
	v11 =	vadd.f32 v11, v13  }
0x8a: {  	v59 =	vld [tilespmem:$0x19870];
	v10 =	vmax.f32 v18, v10  }
0x8b: {  	v17 =	vmax.f32 v17, v23;
	v10 =	vmul.f32 v57, v10;
	v11 =	vadd.f32 v12, v11  }
0x8c: {  	v9 =	vmax.f32 v17, v9  }
0x8d: {  	v60 =	vmax.f32 v16, v21;
	v9 =	vmul.f32 v58, v9;
	v10 =	vadd.f32 v10, v11  }
0x8e: {  	v61 =	vmax.f32 v60, v24  }
0x8f: {  	v62 =	vmul.f32 v59, v61;
	v9 =	vadd.f32 v9, v10;
	_ =	sdelay $0x1  }
0x90: {  	v9 =	vadd.f32 v62, v9;
	_ =	sdelay $0x1  }
0x91: {  	v10 =	vperm.xlane v9, v0  }
0x92: {  	v7 =	vadd.f32 v7, v8  }
0x93: {  	v63 =	vadd.f32 v9, v10  }
0x94: {  	v6 =	vadd.f32 v7, v6  }
0x95: {  	v7 =	vperm.xlane v63, v1  }
0x96: {  	v6 =	vsub.f32 $0.0e+00, v6  }
0x97: {  	v7 =	vadd.f32 v63, v7  }
0x98: {  	v6 =	vmul.f32 $1.442695020e+00, v6  }
0x99: {  	v8 =	vperm.xlane v7, v2  }
0x9a: {  	(erf) = vpow2.f32 v6  }
0x9b: {  	v6 =	vadd.f32 v7, v8  }
0x9c: {  	v7 =	vld [tilespmem:$0x19880]  }
0x9d: {  	v8 =	vperm.xlane v6, v3;
	_ =	sdelay $0x1  }
0x9e: {  	v6 =	vadd.f32 v6, v8;
	_ =	sdelay $0x1  }
0x9f: {  	v6 =	vadd.f32 v6, v7;
	_ =	sdelay $0x1  }
0xa0: {  	v7 =	vpop (erf);
	v6 =	vsub.f32 $0.0e+00, v6  }
0xa1: {  	v7 =	vadd.f32 $1.000000000e+00, v7  }
0xa2: {  	v6 =	vmul.f32 $1.442695020e+00, v6  }
0xa3: {  	(erf) = vrcp.f32 v7  }
0xa4: {  	(erf) = vpow2.f32 v6;
	_ =	sdelay $0x7  }
0xa5: {  	v6 =	vpop (erf)  }
0xa6: {  	v7 =	vpop (erf)  }
0xa7: {  	v7 =	vadd.f32 $1.000000000e+00, v7;
	_ =	sdelay $0x1  }
0xa8: {  	(erf) = vrcp.f32 v7;
	_ =	sdelay $0x4  }
0xa9: {  	s26 =	sadd.s32 $0x1, s26  }
0xaa: {  	s30 =	sand.u32 $0xE, s29;
	p1 =	sne.s32 s26, $0x40  }
.Ltmp2:
0xab: {  	s28 =	sand.u32 $0xF, s28;
	v7 =	vmov s30;
	(pc) =	sbr.rel @p1 .LBB2_2-.Ltmp2, $4  }
0xac: {  	vm0 =	veq.s32 v7, v4;
	v7 =	vmov s28  }
0xad: {  	v5 =	vsel vm0, v6, v5;
	vm15 =	veq.s32 v7, v4;
	v6 =	vpop (erf)  }
0xae: {  	p0 =	sne.s32 s28, $0xF;
	v5 =	vsel vm15, v6, v5  }
0xaf: {  	[tilespmem:s29+$0x19882] =	vst @!p0 v5  }
0xb0: {  	_ =	swait.ge [sflag:s22], $0x6400;
	s25 =	sadd.s32 $0x1, s25  }
0xb1: {  	[sflag:s22] =	ssyncset.done $0x0;
	p0 =	sne.s32 s25, s9  }
.Ltmp3:
0xb2: {  	[sflag:s22] =	ssyncadd.s32 $0xFFFF9C00;
	(pc) =	sbr.rel @p0 .LBB2_1-.Ltmp3, $4  }
0xb3: {  	[hbm4b:s8+s2] =	stream.linear.scatter [tilespmem:s24], [sflag:$0x3], $0x80, $0x38;
	[tilespmem:$0x19910] =	vst v63  }
0xb4: {  	_ =	swait.ge [sflag:s10], $0x80  }
0xb5: {  	[sflag:s10] =	ssyncset.done $0x0  }
0xb6: {  	[sflag:s10] =	ssyncadd.s32 $0xFFFFFF80  }
0xb7: {  	_ =	sfence.sel $0x180000  }
0xb8: {  	[bflag:$0x0] =	sbarrier.arrive $0xFFFF  }
0xb9: {  	p0 =	sne.s32 s0, $0x0;
	_ =	strace $0x90000047  }
0xba: {  	s0 =	sadd.s32 @!p0 $0x100000, s1;
	[bflag:$0x2] =	sbarrier.arrive $0xFFFF  }
0xbb: {  	[sflag:s0] =	ssyncadd.tile.s32 @!p0 $0x1;
	_ =	shalt  }
.Lfunc_end2:
_tile_overlayer_lowered:
.L_overlay_start_2:
0xbc: {  	(tag) =	ssettag $0x2  }
0xbd: {  	s0 =	rddreg [dreg:$0x0];
	s2 =	stileid.u32  }
0xbe: {  	s1 =	rddreg [dreg:$0x1];
	p0 =	sne.s32 s2, $0x0  }
0xbf: {  	s3 =	rddreg [dreg:$0x2];
	[bflag:$0x3] =	sbarrier.arrive $0xFFFF;
	s2 =	simm.s32 @!p0 $0x1C03  }
0xc0: {  	[timem:s3], [sflag:s2] =	dma.local @!p0 [hbm:s0], s1  }
0xc1: {  	s0 =	simm.s32 @!p0 $0x3  }
0xc2: {  	_ =	swait.ge @!p0 [sflag:s0], s1  }
0xc3: {  	s1 =	ssub.s32 @!p0 $0x0, s1;
	[sflag:s0] =	ssyncset.done @!p0 $0x0  }
0xc4: {  	[sflag:s0] =	ssyncadd.s32 @!p0 s1  }
0xc5: {  	[bflag:$0x3] =	sbarrier.arrive $0xFFFF  }
0xc6: {  	_ =	shalt  }

</sc_bundles>
